<compile_context>
chip_gen: v7x
topology: tpu7x:2x2x1
jax: 0.10.2.dev20260603
libtpu: 0.0.44.dev20260713+nightly
codegen_flags: <defaults>
</compile_context>

<pallas_src>
import functools

import jax
import jax.numpy as jnp
import numpy as np
from jax import lax
from jax.experimental import pallas as pl
from jax.experimental.pallas import tpu as pltpu
from jax.experimental.pallas import tpu_sc as plsc

AFL = 32
NBL = 4
N = 50000
M = 16
N0 = 1000
A = 50
EPS = 1e-5

NW = 32
CHUNK = 128
KCH = 196
PER_W = KCH * CHUNK
E_PAD = NW * PER_W
E = N * M

BA = 1024
BE = BA * M
BR = BE // 4
NPAD = NW * PER_W // M
RP = E // 4
RPAD = E_PAD // 4
GRID = NPAD // BA
AVALID = N - (GRID - 1) * BA
RVALID = RP - (GRID - 1) * BR


_PERM = np.array([64 * q + f for q in range(4) for f in range(32)]
                 + [64 * q + 32 + f for q in range(4) for f in range(32)])


def _lrelu(x):
    return jnp.maximum(x, 0.01 * x)


def _bdiag4(w):
    a, b = w.shape
    out = jnp.zeros((4 * a, 4 * b), w.dtype)
    for q in range(4):
        out = out.at[q * a:(q + 1) * a, q * b:(q + 1) * b].set(w)
    return out


def _sc_gather(x, idx3d):
    mesh = plsc.VectorSubcoreMesh(core_axis_name="c", subcore_axis_name="s")

    @functools.partial(
        pl.kernel,
        mesh=mesh,
        out_type=jax.ShapeDtypeStruct((E_PAD, AFL), jnp.float32),
        scratch_types=[
            pltpu.VMEM((KCH, CHUNK), jnp.int32),
            pltpu.VMEM((CHUNK, AFL), jnp.float32),
            pltpu.VMEM((CHUNK, AFL), jnp.float32),
            pltpu.SemaphoreType.DMA,
            pltpu.SemaphoreType.DMA,
        ],
        compiler_params=pltpu.CompilerParams(use_tc_tiling_on_sc=False),
    )
    def k(x_hbm, idx_hbm, g_hbm, idx_v, rows0, rows1, sem0, sem1):
        wid = lax.axis_index("s") * 2 + lax.axis_index("c")
        pltpu.sync_copy(idx_hbm.at[wid], idx_v)
        base = wid * PER_W

        def issue(j, rows, sem):
            return pltpu.async_copy(x_hbm.at[idx_v.at[j]], rows, sem)

        def drain(j, rows):
            pltpu.sync_copy(rows, g_hbm.at[pl.ds(base + j * CHUNK, CHUNK)])

        c0 = issue(0, rows0, sem0)

        def body(jj, carry):
            j = jj * 2

            c_next = issue(j + 1, rows1, sem1)
            c0 = pltpu.make_async_copy(x_hbm.at[idx_v.at[j]], rows0, sem0)
            c0.wait()
            drain(j, rows0)

            c_next2 = issue(j + 2, rows0, sem0)
            c1 = pltpu.make_async_copy(x_hbm.at[idx_v.at[j + 1]], rows1, sem1)
            c1.wait()
            drain(j + 1, rows1)
            return carry

        lax.fori_loop(0, (KCH - 2) // 2, body, 0, unroll=False)
        j = KCH - 2
        c_last = issue(j + 1, rows1, sem1)
        pltpu.make_async_copy(x_hbm.at[idx_v.at[j]], rows0, sem0).wait()
        drain(j, rows0)
        pltpu.make_async_copy(x_hbm.at[idx_v.at[j + 1]], rows1, sem1).wait()
        drain(j + 1, rows1)

    return k(x, idx3d)


def _embed(atom_fea, WeT, be):
    def body(a_ref, w_ref, b_ref, o_ref):
        o_ref[...] = jnp.dot(a_ref[...], w_ref[...],
                             preferred_element_type=jnp.float32) + b_ref[...]

    return pl.pallas_call(
        body,
        grid=(GRID,),
        in_specs=[
            pl.BlockSpec((BA, 128), lambda i: (i, 0)),
            pl.BlockSpec((128, AFL), lambda i: (0, 0)),
            pl.BlockSpec((1, AFL), lambda i: (0, 0)),
        ],
        out_specs=pl.BlockSpec((BA, AFL), lambda i: (i, 0)),
        out_shape=jax.ShapeDtypeStruct((NPAD, AFL), jnp.float32),
    )(atom_fea, WeT, be)


def _gate_packed(x_blk, gp_blk, nbp_blk, wa4, wb4, wc4, bf4):
    self_g = jnp.dot(x_blk, wa4, preferred_element_type=jnp.float32)
    sgt = jnp.broadcast_to(self_g[:, None, :], (BA, 4, 8 * AFL))
    sgt = sgt.reshape(BR, 8 * AFL)
    nb_term = lax.dot_general(nbp_blk, wc4, (((0,), (0,)), ((), ())),
                              preferred_element_type=jnp.float32)
    edge = (jnp.dot(gp_blk, wb4, preferred_element_type=jnp.float32)
            + nb_term + bf4)
    return sgt + edge


def _fold4(v):
    k = v.shape[1] // 4
    return v[:, 0:k] + v[:, k:2 * k] + v[:, 2 * k:3 * k] + v[:, 3 * k:4 * k]


def _foldstat(v):
    return jnp.concatenate(
        [_fold4(v[:, :4 * AFL]), _fold4(v[:, 4 * AFL:])], axis=1)


def _stats1(x, gp, nbp, WaT, wb4, wc4, bf4):
    def body(x_ref, g_ref, nb_ref, wa_ref, wb_ref, wc_ref, bf_ref, st_ref):
        gated = _gate_packed(x_ref[...], g_ref[...], nb_ref[...],
                             wa_ref[...], wb_ref[...], wc_ref[...], bf_ref[...])

        @pl.when(pl.program_id(0) == 0)
        def _():
            st_ref[...] = jnp.zeros_like(st_ref)

        @pl.when(pl.program_id(0) == GRID - 1)
        def _():
            rows = lax.broadcasted_iota(jnp.int32, (BR, 1), 0)
            gm = jnp.where(rows < RVALID, gated, 0.0)
            s1 = _foldstat(jnp.sum(gm, axis=0, keepdims=True))
            s2 = _foldstat(jnp.sum(gm * gm, axis=0, keepdims=True))
            st_ref[...] += jnp.concatenate([s1, s2], axis=0)

        @pl.when(pl.program_id(0) < GRID - 1)
        def _():
            s1 = _foldstat(jnp.sum(gated, axis=0, keepdims=True))
            s2 = _foldstat(jnp.sum(gated * gated, axis=0, keepdims=True))
            st_ref[...] += jnp.concatenate([s1, s2], axis=0)

    return pl.pallas_call(
        body,
        grid=(GRID,),
        in_specs=[
            pl.BlockSpec((BA, AFL), lambda i: (i, 0)),
            pl.BlockSpec((BR, 128), lambda i: (i, 0)),
            pl.BlockSpec((4 * NBL, BR), lambda i: (0, i)),
            pl.BlockSpec((AFL, 8 * AFL), lambda i: (0, 0)),
            pl.BlockSpec((128, 8 * AFL), lambda i: (0, 0)),
            pl.BlockSpec((4 * NBL, 8 * AFL), lambda i: (0, 0)),
            pl.BlockSpec((1, 8 * AFL), lambda i: (0, 0)),
        ],
        out_specs=pl.BlockSpec((2, 2 * AFL), lambda i: (0, 0)),
        out_shape=jax.ShapeDtypeStruct((2, 2 * AFL), jnp.float32),
        compiler_params=pltpu.CompilerParams(
            dimension_semantics=("arbitrary",)),
    )(x, gp, nbp, WaT, wb4, wc4, bf4)


def _conv_sum(x, gp, nbp, WaT, wb4, wc4, bf4, st1, g1, b1):
    def body(x_ref, g_ref, nb_ref, wa_ref, wb_ref, wc_ref, bf_ref,
             st_ref, g1_ref, b1_ref, s_ref, st2_ref):
        mean = st_ref[0:1, :] / E
        var = st_ref[1:2, :] / E - mean * mean
        sc = lax.rsqrt(var + EPS) * g1_ref[...]
        sh = b1_ref[...] - mean * sc
        sc4 = jnp.concatenate([sc[:, :AFL]] * 4 + [sc[:, AFL:]] * 4, axis=1)
        sh4 = jnp.concatenate([sh[:, :AFL]] * 4 + [sh[:, AFL:]] * 4, axis=1)
        gated = _gate_packed(x_ref[...], g_ref[...], nb_ref[...],
                             wa_ref[...], wb_ref[...], wc_ref[...], bf_ref[...])
        gn = gated * sc4 + sh4
        nf = jax.nn.sigmoid(gn[:, :4 * AFL])
        nc = _lrelu(gn[:, 4 * AFL:])
        pp = nf * nc
        r = jnp.sum(pp.reshape(BA, 4, 128), axis=1)
        s = (r[:, 0:AFL] + r[:, AFL:2 * AFL]
             + r[:, 2 * AFL:3 * AFL] + r[:, 3 * AFL:4 * AFL])
        s_ref[...] = s

        @pl.when(pl.program_id(0) == 0)
        def _():
            st2_ref[...] = jnp.zeros_like(st2_ref)

        @pl.when(pl.program_id(0) == GRID - 1)
        def _():
            rows = lax.broadcasted_iota(jnp.int32, (BA, 1), 0)
            sm = jnp.where(rows < AVALID, s, 0.0)
            st2_ref[...] += jnp.concatenate(
                [jnp.sum(sm, axis=0, keepdims=True),
                 jnp.sum(sm * sm, axis=0, keepdims=True)], axis=0)

        @pl.when(pl.program_id(0) < GRID - 1)
        def _():
            st2_ref[...] += jnp.concatenate(
                [jnp.sum(s, axis=0, keepdims=True),
                 jnp.sum(s * s, axis=0, keepdims=True)], axis=0)

    return pl.pallas_call(
        body,
        grid=(GRID,),
        in_specs=[
            pl.BlockSpec((BA, AFL), lambda i: (i, 0)),
            pl.BlockSpec((BR, 128), lambda i: (i, 0)),
            pl.BlockSpec((4 * NBL, BR), lambda i: (0, i)),
            pl.BlockSpec((AFL, 8 * AFL), lambda i: (0, 0)),
            pl.BlockSpec((128, 8 * AFL), lambda i: (0, 0)),
            pl.BlockSpec((4 * NBL, 8 * AFL), lambda i: (0, 0)),
            pl.BlockSpec((1, 8 * AFL), lambda i: (0, 0)),
            pl.BlockSpec((2, 2 * AFL), lambda i: (0, 0)),
            pl.BlockSpec((1, 2 * AFL), lambda i: (0, 0)),
            pl.BlockSpec((1, 2 * AFL), lambda i: (0, 0)),
        ],
        out_specs=[
            pl.BlockSpec((BA, AFL), lambda i: (i, 0)),
            pl.BlockSpec((2, AFL), lambda i: (0, 0)),
        ],
        out_shape=[
            jax.ShapeDtypeStruct((NPAD, AFL), jnp.float32),
            jax.ShapeDtypeStruct((2, AFL), jnp.float32),
        ],
        compiler_params=pltpu.CompilerParams(
            dimension_semantics=("arbitrary",)),
    )(x, gp, nbp, WaT, wb4, wc4, bf4, st1, g1, b1)


def _residual(x, s, st2, g2, b2):
    def body(x_ref, s_ref, st_ref, g2_ref, b2_ref, o_ref):
        mean = st_ref[0:1, :] / N
        var = st_ref[1:2, :] / N - mean * mean
        inv = lax.rsqrt(var + EPS)
        sn = (s_ref[...] - mean) * inv * g2_ref[...] + b2_ref[...]
        o_ref[...] = _lrelu(x_ref[...] + sn)

    return pl.pallas_call(
        body,
        grid=(GRID,),
        in_specs=[
            pl.BlockSpec((BA, AFL), lambda i: (i, 0)),
            pl.BlockSpec((BA, AFL), lambda i: (i, 0)),
            pl.BlockSpec((2, AFL), lambda i: (0, 0)),
            pl.BlockSpec((1, AFL), lambda i: (0, 0)),
            pl.BlockSpec((1, AFL), lambda i: (0, 0)),
        ],
        out_specs=pl.BlockSpec((BA, AFL), lambda i: (i, 0)),
        out_shape=jax.ShapeDtypeStruct((NPAD, AFL), jnp.float32),
        compiler_params=pltpu.CompilerParams(
            dimension_semantics=("arbitrary",)),
    )(x, s, st2, g2, b2)


def _head(x, conn, WcT, bc, WvT, bv):
    def body(x_ref, c_ref, wc_ref, bc_ref, wv_ref, bv_ref, y_ref, v_ref):
        h = jnp.dot(x_ref[...], wc_ref[...],
                    preferred_element_type=jnp.float32) + bc_ref[...]
        y = jnp.dot(h, wv_ref[...],
                    preferred_element_type=jnp.float32) + bv_ref[...]
        y_ref[...] = y
        v_ref[...] = y * c_ref[...]

    return pl.pallas_call(
        body,
        grid=(GRID,),
        in_specs=[
            pl.BlockSpec((BA, AFL), lambda i: (i, 0)),
            pl.BlockSpec((BA, 1), lambda i: (i, 0)),
            pl.BlockSpec((AFL, 128), lambda i: (0, 0)),
            pl.BlockSpec((1, 128), lambda i: (0, 0)),
            pl.BlockSpec((128, 1), lambda i: (0, 0)),
            pl.BlockSpec((1, 1), lambda i: (0, 0)),
        ],
        out_specs=[
            pl.BlockSpec((BA, 1), lambda i: (i, 0)),
            pl.BlockSpec((BA, 1), lambda i: (i, 0)),
        ],
        out_shape=[
            jax.ShapeDtypeStruct((NPAD, 1), jnp.float32),
            jax.ShapeDtypeStruct((NPAD, 1), jnp.float32),
        ],
    )(x, conn, WcT, bc, WvT, bv)


def _pool(vis2):
    def body(v_ref, o_ref):
        v = v_ref[...]
        ssum = jnp.sum(v, axis=1, keepdims=True)
        cnt = jnp.sum((v != 0).astype(jnp.float32), axis=1, keepdims=True)
        o_ref[...] = ssum / cnt

    return pl.pallas_call(
        body,
        in_specs=[pl.BlockSpec((N0, A), lambda: (0, 0))],
        out_specs=pl.BlockSpec((N0, 1), lambda: (0, 0)),
        out_shape=jax.ShapeDtypeStruct((N0, 1), jnp.float32),
    )(vis2)


def kernel(atom_fea, nbr_fea, nbr_fea_idx, crystal_atom_idx, distances,
           connection_atom_idx, params):
    del distances, crystal_atom_idx

    flat_idx = nbr_fea_idx.reshape(-1)
    flat_idx = jnp.concatenate(
        [flat_idx, jnp.zeros((E_PAD - E,), jnp.int32)]).reshape(NW, KCH, CHUNK)
    nbp = nbr_fea.reshape(RP, 4, NBL).transpose(1, 2, 0).reshape(4 * NBL, RP)

    af_pad = jnp.concatenate(
        [atom_fea, jnp.zeros((NPAD - N, atom_fea.shape[1]), jnp.float32)])
    conn_pad = jnp.concatenate(
        [connection_atom_idx, jnp.zeros((NPAD - N, 1), jnp.float32)])

    x = _embed(af_pad, params['We'].T, params['be'][None, :])

    for i in range(3):
        Wf = params['Wf%d' % i]
        WaT = Wf[:, :AFL].T
        wa4 = jnp.concatenate([WaT[:, :AFL]] * 4 + [WaT[:, AFL:]] * 4, axis=1)
        wb4 = _bdiag4(Wf[:, AFL:2 * AFL].T)[:, _PERM]
        wc4 = _bdiag4(Wf[:, 2 * AFL:].T)[:, _PERM]
        bf4 = jnp.tile(params['bf%d' % i][None, :], (1, 4))[:, _PERM]
        g1 = params['g1_%d' % i][None, :]
        b1 = params['b1_%d' % i][None, :]
        g2 = params['g2_%d' % i][None, :]
        b2 = params['b2_%d' % i][None, :]

        g = _sc_gather(x, flat_idx)
        gp = g.reshape(RPAD, 128)
        st1 = _stats1(x, gp, nbp, wa4, wb4, wc4, bf4)
        s, st2 = _conv_sum(x, gp, nbp, wa4, wb4, wc4, bf4, st1, g1, b1)
        x = _residual(x, s, st2, g2, b2)

    y, vis = _head(x, conn_pad, params['Wc'].T,
                   params['bc'][None, :], params['Wv'].T,
                   params['bv'][None, None, 0])
    y = y[:N]
    vis = vis[:N]
    out = _pool(vis.reshape(N0, A))
    return out, vis, y

# --- scband reference (transcript-rebuilt; emitter-appended) ---
"""Pipeline reference for scband-crystal-graph-conv-net-52536039964946 (READ-ONLY COPY).

The authoritative reference and input builder live on the scoring server;
editing this copy changes nothing except your own understanding.
"""

import jax, jax.numpy as jnp
import numpy as np

AFL = 32
NBL = 4
ORIG = 128
HFL = 128
NCONV = 3


def _lin_init(k, out_d, in_d):
    w = jax.random.normal(k, (out_d, in_d), dtype=jnp.float32) / np.sqrt(in_d)
    b = jnp.zeros((out_d,), jnp.float32)
    return w, b


def _init_params(key):
    ks = jax.random.split(key, 16)
    p = {}
    p['We'], p['be'] = _lin_init(ks[0], AFL, ORIG)
    for i in range(NCONV):
        p['Wf%d' % i], p['bf%d' % i] = _lin_init(ks[1 + i], 2 * AFL, 2 * AFL + NBL)
        p['g1_%d' % i] = jnp.ones((2 * AFL,), jnp.float32)
        p['b1_%d' % i] = jnp.zeros((2 * AFL,), jnp.float32)
        p['g2_%d' % i] = jnp.ones((AFL,), jnp.float32)
        p['b2_%d' % i] = jnp.zeros((AFL,), jnp.float32)
    p['Wc'], p['bc'] = _lin_init(ks[10], HFL, AFL)
    p['Wv'], p['bv'] = _lin_init(ks[11], 1, HFL)
    return p


def setup_inputs(seed: int = 0):
    key = jax.random.key(seed)
    k1, k2, k3, k4, k5, kp = jax.random.split(key, 6)
    N, M, N0, A = 50000, 16, 1000, 50
    atom_fea = jax.random.normal(k1, (N, ORIG), jnp.float32)
    nbr_fea = jax.random.normal(k2, (N, M, NBL), jnp.float32)
    nbr_fea_idx = jax.random.randint(k3, (N, M), 0, N, dtype=jnp.int32)
    crystal_atom_idx = jnp.arange(N0 * A, dtype=jnp.int32).reshape(N0, A)
    distances = jax.random.uniform(k4, (N, 1), dtype=jnp.float32)
    connection_atom_idx = jax.random.uniform(k5, (N, 1), dtype=jnp.float32)
    params = _init_params(kp)
    return {'atom_fea': atom_fea, 'nbr_fea': nbr_fea, 'nbr_fea_idx': nbr_fea_idx,
            'crystal_atom_idx': crystal_atom_idx, 'distances': distances,
            'connection_atom_idx': connection_atom_idx, 'params': params}


def _lrelu(x):
    return jnp.where(x >= 0, x, 0.01 * x)


def _bn(x, g, b):
    m = x.mean(axis=0)
    v = x.var(axis=0)
    return (x - m) / jnp.sqrt(v + 1e-5) * g + b


def _forward(atom_fea, nbr_fea, nbr_fea_idx, crystal_atom_idx, connection_atom_idx, params):
    x = atom_fea @ params['We'].T + params['be']
    N, M = nbr_fea_idx.shape
    for i in range(NCONV):
        atom_nbr = x[nbr_fea_idx]
        self_f = jnp.broadcast_to(x[:, None, :], (N, M, AFL))
        tot = jnp.concatenate([self_f, atom_nbr, nbr_fea], axis=2)
        gated = tot @ params['Wf%d' % i].T + params['bf%d' % i]
        gated = _bn(gated.reshape(-1, 2 * AFL), params['g1_%d' % i], params['b1_%d' % i]).reshape(N, M, 2 * AFL)
        nf = jax.nn.sigmoid(gated[..., :AFL])
        nc = _lrelu(gated[..., AFL:])
        s = jnp.sum(nf * nc, axis=1)
        s = _bn(s, params['g2_%d' % i], params['b2_%d' % i])
        x = _lrelu(x + s)
    x = x @ params['Wc'].T + params['bc']
    x = x @ params['Wv'].T + params['bv']
    vis = x * connection_atom_idx
    gathered = vis[crystal_atom_idx]
    ssum = gathered.sum(axis=(1, 2))
    cnt = jnp.sum(gathered != 0, axis=(1, 2)).astype(jnp.float32)
    out = (ssum / cnt)[:, None]
    return out, vis, x


def reference(atom_fea, nbr_fea, nbr_fea_idx, crystal_atom_idx, distances, connection_atom_idx, params):
    return _forward(atom_fea, nbr_fea, nbr_fea_idx, crystal_atom_idx, connection_atom_idx, params)

if __name__ == "__main__":
    import jax
    _d = setup_inputs()
    print(jax.jit(kernel)(*tuple(_d.values())))

</pallas_src>

<mosaic_0001>
#map = affine_map<(d0, d1) -> (0, 0)>
#map1 = affine_map<(d0, d1) -> (0, 0, 0)>
module attributes {stable_mosaic.version = 14 : i64} {
  func.func @k(%arg0: i32, %arg1: i32, %arg2: memref<50176x32xf32, #tpu.memory_space<hbm>>, %arg3: memref<32x196x128xi32, #tpu.memory_space<hbm>>, %arg4: memref<802816x32xf32, #tpu.memory_space<hbm>>, %arg5: memref<196x128xi32, #tpu.memory_space<vmem>>, %arg6: memref<128x32xf32, #tpu.memory_space<vmem>>, %arg7: memref<128x32xf32, #tpu.memory_space<vmem>>, %arg8: memref<!tpu.dma_semaphore, #tpu.memory_space<semaphore_mem>>, %arg9: memref<!tpu.dma_semaphore, #tpu.memory_space<semaphore_mem>>) attributes {dimension_semantics = [#tpu.dimension_semantics<core_parallel>, #tpu.dimension_semantics<subcore_parallel>], iteration_bounds = array<i64: 2, 16>, scalar_prefetch = 0 : i64, scratch_operands = 5 : i64, tpu.core_type = #tpu.core_type<sc_vector_subcore>, window_params = [{transform_indices = #map}, {transform_indices = #map1}, {transform_indices = #map}]} {
    %mul3A = arith.constant 2 : i32
    %mul3A_0 = arith.muli %arg1, %mul3A : i32
    %add3A = arith.addi %mul3A_0, %arg0 : i32
    "tpu.region"() ({
      %run_scoped3A = tpu.sem_alloc : memref<!tpu.dma_semaphore, #tpu.memory_space<semaphore_mem>>
      %dma_start3A_38 = arith.constant 0 : i32
      %dma_start3A_39 = arith.constant 0 : i32
      %dma_start3A_40 = tpu.memref_slice %arg3[%add3A, %dma_start3A_38, %dma_start3A_39] : memref<32x196x128xi32, #tpu.memory_space<hbm>> -> memref<1x196x128xi32, #tpu.memory_space<hbm>>
      %dma_start3A_41 = tpu.memref_squeeze %dma_start3A_40 : memref<1x196x128xi32, #tpu.memory_space<hbm>> -> memref<196x128xi32, #tpu.memory_space<hbm>>
      %dma_start3A_42 = arith.constant 0 : i32
      %dma_start3A_43 = arith.constant 0 : i32
      %dma_start3A_44 = tpu.memref_slice %arg3[%add3A, %dma_start3A_42, %dma_start3A_43] : memref<32x196x128xi32, #tpu.memory_space<hbm>> -> memref<1x196x128xi32, #tpu.memory_space<hbm>>
      %dma_start3A_45 = tpu.memref_squeeze %dma_start3A_44 : memref<1x196x128xi32, #tpu.memory_space<hbm>> -> memref<196x128xi32, #tpu.memory_space<hbm>>
      tpu.enqueue_dma source(%dma_start3A_45 : memref<196x128xi32, #tpu.memory_space<hbm>>) target(%arg5 : memref<196x128xi32, #tpu.memory_space<vmem>>) target_semaphore(%run_scoped3A : memref<!tpu.dma_semaphore, #tpu.memory_space<semaphore_mem>>)
      %dma_wait3A_46 = arith.constant 0 : i32
      %dma_wait3A_47 = arith.constant 0 : i32
      %dma_wait3A_48 = tpu.memref_slice %arg3[%add3A, %dma_wait3A_46, %dma_wait3A_47] : memref<32x196x128xi32, #tpu.memory_space<hbm>> -> memref<1x196x128xi32, #tpu.memory_space<hbm>>
      %dma_wait3A_49 = tpu.memref_squeeze %dma_wait3A_48 : memref<1x196x128xi32, #tpu.memory_space<hbm>> -> memref<196x128xi32, #tpu.memory_space<hbm>>
      %dma_wait3A_50 = arith.constant 0 : i32
      %dma_wait3A_51 = arith.constant 0 : i32
      %dma_wait3A_52 = tpu.memref_slice %arg3[%add3A, %dma_wait3A_50, %dma_wait3A_51] : memref<32x196x128xi32, #tpu.memory_space<hbm>> -> memref<1x196x128xi32, #tpu.memory_space<hbm>>
      %dma_wait3A_53 = tpu.memref_squeeze %dma_wait3A_52 : memref<1x196x128xi32, #tpu.memory_space<hbm>> -> memref<196x128xi32, #tpu.memory_space<hbm>>
      tpu.wait_dma2 semaphore(%run_scoped3A : memref<!tpu.dma_semaphore, #tpu.memory_space<semaphore_mem>>) src(%dma_wait3A_53 : memref<196x128xi32, #tpu.memory_space<hbm>>) dst(%arg5 : memref<196x128xi32, #tpu.memory_space<vmem>>)
      tpu.yield
    }) : () -> ()
    %mul3A_1 = arith.constant 25088 : i32
    %mul3A_2 = arith.muli %add3A, %mul3A_1 : i32
    %dma_start3A = arith.constant 0 : i32
    %dma_start3A_3 = arith.constant 0 : i32
    %dma_start3A_4 = tpu.memref_slice %arg5[%dma_start3A, %dma_start3A_3] : memref<196x128xi32, #tpu.memory_space<vmem>> -> memref<1x128xi32, #tpu.memory_space<vmem>>
    %dma_start3A_5 = tpu.memref_squeeze %dma_start3A_4 : memref<1x128xi32, #tpu.memory_space<vmem>> -> memref<128xi32, #tpu.memory_space<vmem>>
    %dma_start3A_6 = arith.constant 0 : i32
    %dma_start3A_7 = arith.constant 0 : i32
    %dma_start3A_8 = tpu.memref_slice %arg2[%dma_start3A_6, %dma_start3A_7] : memref<50176x32xf32, #tpu.memory_space<hbm>> -> memref<50176x32xf32, #tpu.memory_space<hbm>>
    tpu.enqueue_indirect_dma source(%dma_start3A_8 : memref<50176x32xf32, #tpu.memory_space<hbm>>) target(%arg6 : memref<128x32xf32, #tpu.memory_space<vmem>>) offsets(%dma_start3A_5 : memref<128xi32, #tpu.memory_space<vmem>>) semaphore(%arg8 : memref<!tpu.dma_semaphore, #tpu.memory_space<semaphore_mem>>)
    %scan3A = arith.constant 0 : i32
    %scan3A_9 = arith.constant 0 : i32
    %scan3A_10 = arith.constant 97 : i32
    %scan3A_11 = arith.addi %scan3A_9, %scan3A_10 : i32
    %scan3A_12 = arith.constant 1 : i32
    scf.for %scan3A_38 = %scan3A_9 to %scan3A_11 step %scan3A_12  : i32 {
      %mul3A_39 = arith.constant 2 : i32
      %mul3A_40 = arith.muli %scan3A_38, %mul3A_39 : i32
      %add3A_41 = arith.constant 1 : i32
      %add3A_42 = arith.addi %mul3A_40, %add3A_41 : i32
      %dma_start3A_43 = arith.constant 0 : i32
      %dma_start3A_44 = tpu.memref_slice %arg5[%add3A_42, %dma_start3A_43] : memref<196x128xi32, #tpu.memory_space<vmem>> -> memref<1x128xi32, #tpu.memory_space<vmem>>
      %dma_start3A_45 = tpu.memref_squeeze %dma_start3A_44 : memref<1x128xi32, #tpu.memory_space<vmem>> -> memref<128xi32, #tpu.memory_space<vmem>>
      %dma_start3A_46 = arith.constant 0 : i32
      %dma_start3A_47 = arith.constant 0 : i32
      %dma_start3A_48 = tpu.memref_slice %arg2[%dma_start3A_46, %dma_start3A_47] : memref<50176x32xf32, #tpu.memory_space<hbm>> -> memref<50176x32xf32, #tpu.memory_space<hbm>>
      tpu.enqueue_indirect_dma source(%dma_start3A_48 : memref<50176x32xf32, #tpu.memory_space<hbm>>) target(%arg7 : memref<128x32xf32, #tpu.memory_space<vmem>>) offsets(%dma_start3A_45 : memref<128xi32, #tpu.memory_space<vmem>>) semaphore(%arg9 : memref<!tpu.dma_semaphore, #tpu.memory_space<semaphore_mem>>)
      %dma_wait3A_49 = arith.constant 0 : i32
      %dma_wait3A_50 = tpu.memref_slice %arg5[%mul3A_40, %dma_wait3A_49] : memref<196x128xi32, #tpu.memory_space<vmem>> -> memref<1x128xi32, #tpu.memory_space<vmem>>
      %dma_wait3A_51 = tpu.memref_squeeze %dma_wait3A_50 : memref<1x128xi32, #tpu.memory_space<vmem>> -> memref<128xi32, #tpu.memory_space<vmem>>
      %dma_wait3A_52 = arith.constant 0 : i32
      %dma_wait3A_53 = arith.constant 0 : i32
      %dma_wait3A_54 = tpu.memref_slice %arg2[%dma_wait3A_52, %dma_wait3A_53] : memref<50176x32xf32, #tpu.memory_space<hbm>> -> memref<50176x32xf32, #tpu.memory_space<hbm>>
      tpu.wait_indirect_dma semaphore(%arg8 : memref<!tpu.dma_semaphore, #tpu.memory_space<semaphore_mem>>) src(%dma_wait3A_54 : memref<50176x32xf32, #tpu.memory_space<hbm>>) dst(%arg6 : memref<128x32xf32, #tpu.memory_space<vmem>>)
      %mul3A_55 = arith.constant 128 : i32
      %mul3A_56 = arith.muli %mul3A_40, %mul3A_55 : i32
      %add3A_57 = arith.addi %mul3A_2, %mul3A_56 : i32
      "tpu.region"() ({
        %run_scoped3A = tpu.sem_alloc : memref<!tpu.dma_semaphore, #tpu.memory_space<semaphore_mem>>
        %dma_start3A_79 = arith.constant 0 : i32
        %dma_start3A_80 = tpu.memref_slice %arg4[%add3A_57, %dma_start3A_79] : memref<802816x32xf32, #tpu.memory_space<hbm>> -> memref<128x32xf32, #tpu.memory_space<hbm>>
        %dma_start3A_81 = arith.constant 0 : i32
        %dma_start3A_82 = tpu.memref_slice %arg4[%add3A_57, %dma_start3A_81] : memref<802816x32xf32, #tpu.memory_space<hbm>> -> memref<128x32xf32, #tpu.memory_space<hbm>>
        tpu.enqueue_dma source(%arg6 : memref<128x32xf32, #tpu.memory_space<vmem>>) target(%dma_start3A_82 : memref<128x32xf32, #tpu.memory_space<hbm>>) target_semaphore(%run_scoped3A : memref<!tpu.dma_semaphore, #tpu.memory_space<semaphore_mem>>)
        %dma_wait3A_83 = arith.constant 0 : i32
        %dma_wait3A_84 = tpu.memref_slice %arg4[%add3A_57, %dma_wait3A_83] : memref<802816x32xf32, #tpu.memory_space<hbm>> -> memref<128x32xf32, #tpu.memory_space<hbm>>
        %dma_wait3A_85 = arith.constant 0 : i32
        %dma_wait3A_86 = tpu.memref_slice %arg4[%add3A_57, %dma_wait3A_85] : memref<802816x32xf32, #tpu.memory_space<hbm>> -> memref<128x32xf32, #tpu.memory_space<hbm>>
        tpu.wait_dma2 semaphore(%run_scoped3A : memref<!tpu.dma_semaphore, #tpu.memory_space<semaphore_mem>>) src(%arg6 : memref<128x32xf32, #tpu.memory_space<vmem>>) dst(%dma_wait3A_86 : memref<128x32xf32, #tpu.memory_space<hbm>>)
        tpu.yield
      }) : () -> ()
      %add3A_58 = arith.constant 2 : i32
      %add3A_59 = arith.addi %mul3A_40, %add3A_58 : i32
      %dma_start3A_60 = arith.constant 0 : i32
      %dma_start3A_61 = tpu.memref_slice %arg5[%add3A_59, %dma_start3A_60] : memref<196x128xi32, #tpu.memory_space<vmem>> -> memref<1x128xi32, #tpu.memory_space<vmem>>
      %dma_start3A_62 = tpu.memref_squeeze %dma_start3A_61 : memref<1x128xi32, #tpu.memory_space<vmem>> -> memref<128xi32, #tpu.memory_space<vmem>>
      %dma_start3A_63 = arith.constant 0 : i32
      %dma_start3A_64 = arith.constant 0 : i32
      %dma_start3A_65 = tpu.memref_slice %arg2[%dma_start3A_63, %dma_start3A_64] : memref<50176x32xf32, #tpu.memory_space<hbm>> -> memref<50176x32xf32, #tpu.memory_space<hbm>>
      tpu.enqueue_indirect_dma source(%dma_start3A_65 : memref<50176x32xf32, #tpu.memory_space<hbm>>) target(%arg6 : memref<128x32xf32, #tpu.memory_space<vmem>>) offsets(%dma_start3A_62 : memref<128xi32, #tpu.memory_space<vmem>>) semaphore(%arg8 : memref<!tpu.dma_semaphore, #tpu.memory_space<semaphore_mem>>)
      %add3A_66 = arith.constant 1 : i32
      %add3A_67 = arith.addi %mul3A_40, %add3A_66 : i32
      %dma_wait3A_68 = arith.constant 0 : i32
      %dma_wait3A_69 = tpu.memref_slice %arg5[%add3A_67, %dma_wait3A_68] : memref<196x128xi32, #tpu.memory_space<vmem>> -> memref<1x128xi32, #tpu.memory_space<vmem>>
      %dma_wait3A_70 = tpu.memref_squeeze %dma_wait3A_69 : memref<1x128xi32, #tpu.memory_space<vmem>> -> memref<128xi32, #tpu.memory_space<vmem>>
      %dma_wait3A_71 = arith.constant 0 : i32
      %dma_wait3A_72 = arith.constant 0 : i32
      %dma_wait3A_73 = tpu.memref_slice %arg2[%dma_wait3A_71, %dma_wait3A_72] : memref<50176x32xf32, #tpu.memory_space<hbm>> -> memref<50176x32xf32, #tpu.memory_space<hbm>>
      tpu.wait_indirect_dma semaphore(%arg9 : memref<!tpu.dma_semaphore, #tpu.memory_space<semaphore_mem>>) src(%dma_wait3A_73 : memref<50176x32xf32, #tpu.memory_space<hbm>>) dst(%arg7 : memref<128x32xf32, #tpu.memory_space<vmem>>)
      %add3A_74 = arith.constant 1 : i32
      %add3A_75 = arith.addi %mul3A_40, %add3A_74 : i32
      %mul3A_76 = arith.constant 128 : i32
      %mul3A_77 = arith.muli %add3A_75, %mul3A_76 : i32
      %add3A_78 = arith.addi %mul3A_2, %mul3A_77 : i32
      "tpu.region"() ({
        %run_scoped3A = tpu.sem_alloc : memref<!tpu.dma_semaphore, #tpu.memory_space<semaphore_mem>>
        %dma_start3A_79 = arith.constant 0 : i32
        %dma_start3A_80 = tpu.memref_slice %arg4[%add3A_78, %dma_start3A_79] : memref<802816x32xf32, #tpu.memory_space<hbm>> -> memref<128x32xf32, #tpu.memory_space<hbm>>
        %dma_start3A_81 = arith.constant 0 : i32
        %dma_start3A_82 = tpu.memref_slice %arg4[%add3A_78, %dma_start3A_81] : memref<802816x32xf32, #tpu.memory_space<hbm>> -> memref<128x32xf32, #tpu.memory_space<hbm>>
        tpu.enqueue_dma source(%arg7 : memref<128x32xf32, #tpu.memory_space<vmem>>) target(%dma_start3A_82 : memref<128x32xf32, #tpu.memory_space<hbm>>) target_semaphore(%run_scoped3A : memref<!tpu.dma_semaphore, #tpu.memory_space<semaphore_mem>>)
        %dma_wait3A_83 = arith.constant 0 : i32
        %dma_wait3A_84 = tpu.memref_slice %arg4[%add3A_78, %dma_wait3A_83] : memref<802816x32xf32, #tpu.memory_space<hbm>> -> memref<128x32xf32, #tpu.memory_space<hbm>>
        %dma_wait3A_85 = arith.constant 0 : i32
        %dma_wait3A_86 = tpu.memref_slice %arg4[%add3A_78, %dma_wait3A_85] : memref<802816x32xf32, #tpu.memory_space<hbm>> -> memref<128x32xf32, #tpu.memory_space<hbm>>
        tpu.wait_dma2 semaphore(%run_scoped3A : memref<!tpu.dma_semaphore, #tpu.memory_space<semaphore_mem>>) src(%arg7 : memref<128x32xf32, #tpu.memory_space<vmem>>) dst(%dma_wait3A_86 : memref<128x32xf32, #tpu.memory_space<hbm>>)
        tpu.yield
      }) : () -> ()
    }
    %scan3A_13 = arith.constant 97 : i32
    %dma_start3A_14 = arith.constant 195 : i32
    %dma_start3A_15 = arith.constant 0 : i32
    %dma_start3A_16 = tpu.memref_slice %arg5[%dma_start3A_14, %dma_start3A_15] : memref<196x128xi32, #tpu.memory_space<vmem>> -> memref<1x128xi32, #tpu.memory_space<vmem>>
    %dma_start3A_17 = tpu.memref_squeeze %dma_start3A_16 : memref<1x128xi32, #tpu.memory_space<vmem>> -> memref<128xi32, #tpu.memory_space<vmem>>
    %dma_start3A_18 = arith.constant 0 : i32
    %dma_start3A_19 = arith.constant 0 : i32
    %dma_start3A_20 = tpu.memref_slice %arg2[%dma_start3A_18, %dma_start3A_19] : memref<50176x32xf32, #tpu.memory_space<hbm>> -> memref<50176x32xf32, #tpu.memory_space<hbm>>
    tpu.enqueue_indirect_dma source(%dma_start3A_20 : memref<50176x32xf32, #tpu.memory_space<hbm>>) target(%arg7 : memref<128x32xf32, #tpu.memory_space<vmem>>) offsets(%dma_start3A_17 : memref<128xi32, #tpu.memory_space<vmem>>) semaphore(%arg9 : memref<!tpu.dma_semaphore, #tpu.memory_space<semaphore_mem>>)
    %dma_wait3A = arith.constant 194 : i32
    %dma_wait3A_21 = arith.constant 0 : i32
    %dma_wait3A_22 = tpu.memref_slice %arg5[%dma_wait3A, %dma_wait3A_21] : memref<196x128xi32, #tpu.memory_space<vmem>> -> memref<1x128xi32, #tpu.memory_space<vmem>>
    %dma_wait3A_23 = tpu.memref_squeeze %dma_wait3A_22 : memref<1x128xi32, #tpu.memory_space<vmem>> -> memref<128xi32, #tpu.memory_space<vmem>>
    %dma_wait3A_24 = arith.constant 0 : i32
    %dma_wait3A_25 = arith.constant 0 : i32
    %dma_wait3A_26 = tpu.memref_slice %arg2[%dma_wait3A_24, %dma_wait3A_25] : memref<50176x32xf32, #tpu.memory_space<hbm>> -> memref<50176x32xf32, #tpu.memory_space<hbm>>
    tpu.wait_indirect_dma semaphore(%arg8 : memref<!tpu.dma_semaphore, #tpu.memory_space<semaphore_mem>>) src(%dma_wait3A_26 : memref<50176x32xf32, #tpu.memory_space<hbm>>) dst(%arg6 : memref<128x32xf32, #tpu.memory_space<vmem>>)
    %add3A_27 = arith.constant 24832 : i32
    %add3A_28 = arith.addi %mul3A_2, %add3A_27 : i32
    "tpu.region"() ({
      %run_scoped3A = tpu.sem_alloc : memref<!tpu.dma_semaphore, #tpu.memory_space<semaphore_mem>>
      %dma_start3A_38 = arith.constant 0 : i32
      %dma_start3A_39 = tpu.memref_slice %arg4[%add3A_28, %dma_start3A_38] : memref<802816x32xf32, #tpu.memory_space<hbm>> -> memref<128x32xf32, #tpu.memory_space<hbm>>
      %dma_start3A_40 = arith.constant 0 : i32
      %dma_start3A_41 = tpu.memref_slice %arg4[%add3A_28, %dma_start3A_40] : memref<802816x32xf32, #tpu.memory_space<hbm>> -> memref<128x32xf32, #tpu.memory_space<hbm>>
      tpu.enqueue_dma source(%arg6 : memref<128x32xf32, #tpu.memory_space<vmem>>) target(%dma_start3A_41 : memref<128x32xf32, #tpu.memory_space<hbm>>) target_semaphore(%run_scoped3A : memref<!tpu.dma_semaphore, #tpu.memory_space<semaphore_mem>>)
      %dma_wait3A_42 = arith.constant 0 : i32
      %dma_wait3A_43 = tpu.memref_slice %arg4[%add3A_28, %dma_wait3A_42] : memref<802816x32xf32, #tpu.memory_space<hbm>> -> memref<128x32xf32, #tpu.memory_space<hbm>>
      %dma_wait3A_44 = arith.constant 0 : i32
      %dma_wait3A_45 = tpu.memref_slice %arg4[%add3A_28, %dma_wait3A_44] : memref<802816x32xf32, #tpu.memory_space<hbm>> -> memref<128x32xf32, #tpu.memory_space<hbm>>
      tpu.wait_dma2 semaphore(%run_scoped3A : memref<!tpu.dma_semaphore, #tpu.memory_space<semaphore_mem>>) src(%arg6 : memref<128x32xf32, #tpu.memory_space<vmem>>) dst(%dma_wait3A_45 : memref<128x32xf32, #tpu.memory_space<hbm>>)
      tpu.yield
    }) : () -> ()
    %dma_wait3A_29 = arith.constant 195 : i32
    %dma_wait3A_30 = arith.constant 0 : i32
    %dma_wait3A_31 = tpu.memref_slice %arg5[%dma_wait3A_29, %dma_wait3A_30] : memref<196x128xi32, #tpu.memory_space<vmem>> -> memref<1x128xi32, #tpu.memory_space<vmem>>
    %dma_wait3A_32 = tpu.memref_squeeze %dma_wait3A_31 : memref<1x128xi32, #tpu.memory_space<vmem>> -> memref<128xi32, #tpu.memory_space<vmem>>
    %dma_wait3A_33 = arith.constant 0 : i32
    %dma_wait3A_34 = arith.constant 0 : i32
    %dma_wait3A_35 = tpu.memref_slice %arg2[%dma_wait3A_33, %dma_wait3A_34] : memref<50176x32xf32, #tpu.memory_space<hbm>> -> memref<50176x32xf32, #tpu.memory_space<hbm>>
    tpu.wait_indirect_dma semaphore(%arg9 : memref<!tpu.dma_semaphore, #tpu.memory_space<semaphore_mem>>) src(%dma_wait3A_35 : memref<50176x32xf32, #tpu.memory_space<hbm>>) dst(%arg7 : memref<128x32xf32, #tpu.memory_space<vmem>>)
    %add3A_36 = arith.constant 24960 : i32
    %add3A_37 = arith.addi %mul3A_2, %add3A_36 : i32
    "tpu.region"() ({
      %run_scoped3A = tpu.sem_alloc : memref<!tpu.dma_semaphore, #tpu.memory_space<semaphore_mem>>
      %dma_start3A_38 = arith.constant 0 : i32
      %dma_start3A_39 = tpu.memref_slice %arg4[%add3A_37, %dma_start3A_38] : memref<802816x32xf32, #tpu.memory_space<hbm>> -> memref<128x32xf32, #tpu.memory_space<hbm>>
      %dma_start3A_40 = arith.constant 0 : i32
      %dma_start3A_41 = tpu.memref_slice %arg4[%add3A_37, %dma_start3A_40] : memref<802816x32xf32, #tpu.memory_space<hbm>> -> memref<128x32xf32, #tpu.memory_space<hbm>>
      tpu.enqueue_dma source(%arg7 : memref<128x32xf32, #tpu.memory_space<vmem>>) target(%dma_start3A_41 : memref<128x32xf32, #tpu.memory_space<hbm>>) target_semaphore(%run_scoped3A : memref<!tpu.dma_semaphore, #tpu.memory_space<semaphore_mem>>)
      %dma_wait3A_42 = arith.constant 0 : i32
      %dma_wait3A_43 = tpu.memref_slice %arg4[%add3A_37, %dma_wait3A_42] : memref<802816x32xf32, #tpu.memory_space<hbm>> -> memref<128x32xf32, #tpu.memory_space<hbm>>
      %dma_wait3A_44 = arith.constant 0 : i32
      %dma_wait3A_45 = tpu.memref_slice %arg4[%add3A_37, %dma_wait3A_44] : memref<802816x32xf32, #tpu.memory_space<hbm>> -> memref<128x32xf32, #tpu.memory_space<hbm>>
      tpu.wait_dma2 semaphore(%run_scoped3A : memref<!tpu.dma_semaphore, #tpu.memory_space<semaphore_mem>>) src(%arg7 : memref<128x32xf32, #tpu.memory_space<vmem>>) dst(%dma_wait3A_45 : memref<128x32xf32, #tpu.memory_space<hbm>>)
      tpu.yield
    }) : () -> ()
    return
  }
}

#map = affine_map<(d0, d1) -> (0, 0)>
#map1 = affine_map<(d0, d1) -> (0, 0, 0)>
module attributes {stable_mosaic.version = 14 : i64} {
  func.func @k(%arg0: i32, %arg1: i32, %arg2: memref<50176x32xf32, #tpu.memory_space<hbm>>, %arg3: memref<32x196x128xi32, #tpu.memory_space<hbm>>, %arg4: memref<802816x32xf32, #tpu.memory_space<hbm>>, %arg5: memref<196x128xi32, #tpu.memory_space<vmem>>, %arg6: memref<128x32xf32, #tpu.memory_space<vmem>>, %arg7: memref<128x32xf32, #tpu.memory_space<vmem>>, %arg8: memref<!tpu.dma_semaphore, #tpu.memory_space<semaphore_mem>>, %arg9: memref<!tpu.dma_semaphore, #tpu.memory_space<semaphore_mem>>) attributes {dimension_semantics = [#tpu.dimension_semantics<core_parallel>, #tpu.dimension_semantics<subcore_parallel>], iteration_bounds = array<i64: 2, 16>, scalar_prefetch = 0 : i64, scratch_operands = 5 : i64, tpu.core_type = #tpu.core_type<sc_vector_subcore>, window_params = [{transform_indices = #map}, {transform_indices = #map1}, {transform_indices = #map}]} {
    %mul3A = arith.constant 2 : i32
    %mul3A_0 = arith.muli %arg1, %mul3A : i32
    %add3A = arith.addi %mul3A_0, %arg0 : i32
    "tpu.region"() ({
      %run_scoped3A = tpu.sem_alloc : memref<!tpu.dma_semaphore, #tpu.memory_space<semaphore_mem>>
      %dma_start3A_38 = arith.constant 0 : i32
      %dma_start3A_39 = arith.constant 0 : i32
      %dma_start3A_40 = tpu.memref_slice %arg3[%add3A, %dma_start3A_38, %dma_start3A_39] : memref<32x196x128xi32, #tpu.memory_space<hbm>> -> memref<1x196x128xi32, #tpu.memory_space<hbm>>
      %dma_start3A_41 = tpu.memref_squeeze %dma_start3A_40 : memref<1x196x128xi32, #tpu.memory_space<hbm>> -> memref<196x128xi32, #tpu.memory_space<hbm>>
      %dma_start3A_42 = arith.constant 0 : i32
      %dma_start3A_43 = arith.constant 0 : i32
      %dma_start3A_44 = tpu.memref_slice %arg3[%add3A, %dma_start3A_42, %dma_start3A_43] : memref<32x196x128xi32, #tpu.memory_space<hbm>> -> memref<1x196x128xi32, #tpu.memory_space<hbm>>
      %dma_start3A_45 = tpu.memref_squeeze %dma_start3A_44 : memref<1x196x128xi32, #tpu.memory_space<hbm>> -> memref<196x128xi32, #tpu.memory_space<hbm>>
      tpu.enqueue_dma source(%dma_start3A_45 : memref<196x128xi32, #tpu.memory_space<hbm>>) target(%arg5 : memref<196x128xi32, #tpu.memory_space<vmem>>) target_semaphore(%run_scoped3A : memref<!tpu.dma_semaphore, #tpu.memory_space<semaphore_mem>>)
      %dma_wait3A_46 = arith.constant 0 : i32
      %dma_wait3A_47 = arith.constant 0 : i32
      %dma_wait3A_48 = tpu.memref_slice %arg3[%add3A, %dma_wait3A_46, %dma_wait3A_47] : memref<32x196x128xi32, #tpu.memory_space<hbm>> -> memref<1x196x128xi32, #tpu.memory_space<hbm>>
      %dma_wait3A_49 = tpu.memref_squeeze %dma_wait3A_48 : memref<1x196x128xi32, #tpu.memory_space<hbm>> -> memref<196x128xi32, #tpu.memory_space<hbm>>
      %dma_wait3A_50 = arith.constant 0 : i32
      %dma_wait3A_51 = arith.constant 0 : i32
      %dma_wait3A_52 = tpu.memref_slice %arg3[%add3A, %dma_wait3A_50, %dma_wait3A_51] : memref<32x196x128xi32, #tpu.memory_space<hbm>> -> memref<1x196x128xi32, #tpu.memory_space<hbm>>
      %dma_wait3A_53 = tpu.memref_squeeze %dma_wait3A_52 : memref<1x196x128xi32, #tpu.memory_space<hbm>> -> memref<196x128xi32, #tpu.memory_space<hbm>>
      tpu.wait_dma2 semaphore(%run_scoped3A : memref<!tpu.dma_semaphore, #tpu.memory_space<semaphore_mem>>) src(%dma_wait3A_53 : memref<196x128xi32, #tpu.memory_space<hbm>>) dst(%arg5 : memref<196x128xi32, #tpu.memory_space<vmem>>)
      tpu.yield
    }) : () -> ()
    %mul3A_1 = arith.constant 25088 : i32
    %mul3A_2 = arith.muli %add3A, %mul3A_1 : i32
    %dma_start3A = arith.constant 0 : i32
    %dma_start3A_3 = arith.constant 0 : i32
    %dma_start3A_4 = tpu.memref_slice %arg5[%dma_start3A, %dma_start3A_3] : memref<196x128xi32, #tpu.memory_space<vmem>> -> memref<1x128xi32, #tpu.memory_space<vmem>>
    %dma_start3A_5 = tpu.memref_squeeze %dma_start3A_4 : memref<1x128xi32, #tpu.memory_space<vmem>> -> memref<128xi32, #tpu.memory_space<vmem>>
    %dma_start3A_6 = arith.constant 0 : i32
    %dma_start3A_7 = arith.constant 0 : i32
    %dma_start3A_8 = tpu.memref_slice %arg2[%dma_start3A_6, %dma_start3A_7] : memref<50176x32xf32, #tpu.memory_space<hbm>> -> memref<50176x32xf32, #tpu.memory_space<hbm>>
    tpu.enqueue_indirect_dma source(%dma_start3A_8 : memref<50176x32xf32, #tpu.memory_space<hbm>>) target(%arg6 : memref<128x32xf32, #tpu.memory_space<vmem>>) offsets(%dma_start3A_5 : memref<128xi32, #tpu.memory_space<vmem>>) semaphore(%arg8 : memref<!tpu.dma_semaphore, #tpu.memory_space<semaphore_mem>>)
    %scan3A = arith.constant 0 : i32
    %scan3A_9 = arith.constant 0 : i32
    %scan3A_10 = arith.constant 97 : i32
    %scan3A_11 = arith.addi %scan3A_9, %scan3A_10 : i32
    %scan3A_12 = arith.constant 1 : i32
    scf.for %scan3A_38 = %scan3A_9 to %scan3A_11 step %scan3A_12  : i32 {
      %mul3A_39 = arith.constant 2 : i32
      %mul3A_40 = arith.muli %scan3A_38, %mul3A_39 : i32
      %add3A_41 = arith.constant 1 : i32
      %add3A_42 = arith.addi %mul3A_40, %add3A_41 : i32
      %dma_start3A_43 = arith.constant 0 : i32
      %dma_start3A_44 = tpu.memref_slice %arg5[%add3A_42, %dma_start3A_43] : memref<196x128xi32, #tpu.memory_space<vmem>> -> memref<1x128xi32, #tpu.memory_space<vmem>>
      %dma_start3A_45 = tpu.memref_squeeze %dma_start3A_44 : memref<1x128xi32, #tpu.memory_space<vmem>> -> memref<128xi32, #tpu.memory_space<vmem>>
      %dma_start3A_46 = arith.constant 0 : i32
      %dma_start3A_47 = arith.constant 0 : i32
      %dma_start3A_48 = tpu.memref_slice %arg2[%dma_start3A_46, %dma_start3A_47] : memref<50176x32xf32, #tpu.memory_space<hbm>> -> memref<50176x32xf32, #tpu.memory_space<hbm>>
      tpu.enqueue_indirect_dma source(%dma_start3A_48 : memref<50176x32xf32, #tpu.memory_space<hbm>>) target(%arg7 : memref<128x32xf32, #tpu.memory_space<vmem>>) offsets(%dma_start3A_45 : memref<128xi32, #tpu.memory_space<vmem>>) semaphore(%arg9 : memref<!tpu.dma_semaphore, #tpu.memory_space<semaphore_mem>>)
      %dma_wait3A_49 = arith.constant 0 : i32
      %dma_wait3A_50 = tpu.memref_slice %arg5[%mul3A_40, %dma_wait3A_49] : memref<196x128xi32, #tpu.memory_space<vmem>> -> memref<1x128xi32, #tpu.memory_space<vmem>>
      %dma_wait3A_51 = tpu.memref_squeeze %dma_wait3A_50 : memref<1x128xi32, #tpu.memory_space<vmem>> -> memref<128xi32, #tpu.memory_space<vmem>>
      %dma_wait3A_52 = arith.constant 0 : i32
      %dma_wait3A_53 = arith.constant 0 : i32
      %dma_wait3A_54 = tpu.memref_slice %arg2[%dma_wait3A_52, %dma_wait3A_53] : memref<50176x32xf32, #tpu.memory_space<hbm>> -> memref<50176x32xf32, #tpu.memory_space<hbm>>
      tpu.wait_indirect_dma semaphore(%arg8 : memref<!tpu.dma_semaphore, #tpu.memory_space<semaphore_mem>>) src(%dma_wait3A_54 : memref<50176x32xf32, #tpu.memory_space<hbm>>) dst(%arg6 : memref<128x32xf32, #tpu.memory_space<vmem>>)
      %mul3A_55 = arith.constant 128 : i32
      %mul3A_56 = arith.muli %mul3A_40, %mul3A_55 : i32
      %add3A_57 = arith.addi %mul3A_2, %mul3A_56 : i32
      "tpu.region"() ({
        %run_scoped3A = tpu.sem_alloc : memref<!tpu.dma_semaphore, #tpu.memory_space<semaphore_mem>>
        %dma_start3A_79 = arith.constant 0 : i32
        %dma_start3A_80 = tpu.memref_slice %arg4[%add3A_57, %dma_start3A_79] : memref<802816x32xf32, #tpu.memory_space<hbm>> -> memref<128x32xf32, #tpu.memory_space<hbm>>
        %dma_start3A_81 = arith.constant 0 : i32
        %dma_start3A_82 = tpu.memref_slice %arg4[%add3A_57, %dma_start3A_81] : memref<802816x32xf32, #tpu.memory_space<hbm>> -> memref<128x32xf32, #tpu.memory_space<hbm>>
        tpu.enqueue_dma source(%arg6 : memref<128x32xf32, #tpu.memory_space<vmem>>) target(%dma_start3A_82 : memref<128x32xf32, #tpu.memory_space<hbm>>) target_semaphore(%run_scoped3A : memref<!tpu.dma_semaphore, #tpu.memory_space<semaphore_mem>>)
        %dma_wait3A_83 = arith.constant 0 : i32
        %dma_wait3A_84 = tpu.memref_slice %arg4[%add3A_57, %dma_wait3A_83] : memref<802816x32xf32, #tpu.memory_space<hbm>> -> memref<128x32xf32, #tpu.memory_space<hbm>>
        %dma_wait3A_85 = arith.constant 0 : i32
        %dma_wait3A_86 = tpu.memref_slice %arg4[%add3A_57, %dma_wait3A_85] : memref<802816x32xf32, #tpu.memory_space<hbm>> -> memref<128x32xf32, #tpu.memory_space<hbm>>
        tpu.wait_dma2 semaphore(%run_scoped3A : memref<!tpu.dma_semaphore, #tpu.memory_space<semaphore_mem>>) src(%arg6 : memref<128x32xf32, #tpu.memory_space<vmem>>) dst(%dma_wait3A_86 : memref<128x32xf32, #tpu.memory_space<hbm>>)
        tpu.yield
      }) : () -> ()
      %add3A_58 = arith.constant 2 : i32
      %add3A_59 = arith.addi %mul3A_40, %add3A_58 : i32
      %dma_start3A_60 = arith.constant 0 : i32
      %dma_start3A_61 = tpu.memref_slice %arg5[%add3A_59, %dma_start3A_60] : memref<196x128xi32, #tpu.memory_space<vmem>> -> memref<1x128xi32, #tpu.memory_space<vmem>>
      %dma_start3A_62 = tpu.memref_squeeze %dma_start3A_61 : memref<1x128xi32, #tpu.memory_space<vmem>> -> memref<128xi32, #tpu.memory_space<vmem>>
      %dma_start3A_63 = arith.constant 0 : i32
      %dma_start3A_64 = arith.constant 0 : i32
      %dma_start3A_65 = tpu.memref_slice %arg2[%dma_start3A_63, %dma_start3A_64] : memref<50176x32xf32, #tpu.memory_space<hbm>> -> memref<50176x32xf32, #tpu.memory_space<hbm>>
      tpu.enqueue_indirect_dma source(%dma_start3A_65 : memref<50176x32xf32, #tpu.memory_space<hbm>>) target(%arg6 : memref<128x32xf32, #tpu.memory_space<vmem>>) offsets(%dma_start3A_62 : memref<128xi32, #tpu.memory_space<vmem>>) semaphore(%arg8 : memref<!tpu.dma_semaphore, #tpu.memory_space<semaphore_mem>>)
      %add3A_66 = arith.constant 1 : i32
      %add3A_67 = arith.addi %mul3A_40, %add3A_66 : i32
      %dma_wait3A_68 = arith.constant 0 : i32
      %dma_wait3A_69 = tpu.memref_slice %arg5[%add3A_67, %dma_wait3A_68] : memref<196x128xi32, #tpu.memory_space<vmem>> -> memref<1x128xi32, #tpu.memory_space<vmem>>
      %dma_wait3A_70 = tpu.memref_squeeze %dma_wait3A_69 : memref<1x128xi32, #tpu.memory_space<vmem>> -> memref<128xi32, #tpu.memory_space<vmem>>
      %dma_wait3A_71 = arith.constant 0 : i32
      %dma_wait3A_72 = arith.constant 0 : i32
      %dma_wait3A_73 = tpu.memref_slice %arg2[%dma_wait3A_71, %dma_wait3A_72] : memref<50176x32xf32, #tpu.memory_space<hbm>> -> memref<50176x32xf32, #tpu.memory_space<hbm>>
      tpu.wait_indirect_dma semaphore(%arg9 : memref<!tpu.dma_semaphore, #tpu.memory_space<semaphore_mem>>) src(%dma_wait3A_73 : memref<50176x32xf32, #tpu.memory_space<hbm>>) dst(%arg7 : memref<128x32xf32, #tpu.memory_space<vmem>>)
      %add3A_74 = arith.constant 1 : i32
      %add3A_75 = arith.addi %mul3A_40, %add3A_74 : i32
      %mul3A_76 = arith.constant 128 : i32
      %mul3A_77 = arith.muli %add3A_75, %mul3A_76 : i32
      %add3A_78 = arith.addi %mul3A_2, %mul3A_77 : i32
      "tpu.region"() ({
        %run_scoped3A = tpu.sem_alloc : memref<!tpu.dma_semaphore, #tpu.memory_space<semaphore_mem>>
        %dma_start3A_79 = arith.constant 0 : i32
        %dma_start3A_80 = tpu.memref_slice %arg4[%add3A_78, %dma_start3A_79] : memref<802816x32xf32, #tpu.memory_space<hbm>> -> memref<128x32xf32, #tpu.memory_space<hbm>>
        %dma_start3A_81 = arith.constant 0 : i32
        %dma_start3A_82 = tpu.memref_slice %arg4[%add3A_78, %dma_start3A_81] : memref<802816x32xf32, #tpu.memory_space<hbm>> -> memref<128x32xf32, #tpu.memory_space<hbm>>
        tpu.enqueue_dma source(%arg7 : memref<128x32xf32, #tpu.memory_space<vmem>>) target(%dma_start3A_82 : memref<128x32xf32, #tpu.memory_space<hbm>>) target_semaphore(%run_scoped3A : memref<!tpu.dma_semaphore, #tpu.memory_space<semaphore_mem>>)
        %dma_wait3A_83 = arith.constant 0 : i32
        %dma_wait3A_84 = tpu.memref_slice %arg4[%add3A_78, %dma_wait3A_83] : memref<802816x32xf32, #tpu.memory_space<hbm>> -> memref<128x32xf32, #tpu.memory_space<hbm>>
        %dma_wait3A_85 = arith.constant 0 : i32
        %dma_wait3A_86 = tpu.memref_slice %arg4[%add3A_78, %dma_wait3A_85] : memref<802816x32xf32, #tpu.memory_space<hbm>> -> memref<128x32xf32, #tpu.memory_space<hbm>>
        tpu.wait_dma2 semaphore(%run_scoped3A : memref<!tpu.dma_semaphore, #tpu.memory_space<semaphore_mem>>) src(%arg7 : memref<128x32xf32, #tpu.memory_space<vmem>>) dst(%dma_wait3A_86 : memref<128x32xf32, #tpu.memory_space<hbm>>)
        tpu.yield
      }) : () -> ()
    }
    %scan3A_13 = arith.constant 97 : i32
    %dma_start3A_14 = arith.constant 195 : i32
    %dma_start3A_15 = arith.constant 0 : i32
    %dma_start3A_16 = tpu.memref_slice %arg5[%dma_start3A_14, %dma_start3A_15] : memref<196x128xi32, #tpu.memory_space<vmem>> -> memref<1x128xi32, #tpu.memory_space<vmem>>
    %dma_start3A_17 = tpu.memref_squeeze %dma_start3A_16 : memref<1x128xi32, #tpu.memory_space<vmem>> -> memref<128xi32, #tpu.memory_space<vmem>>
    %dma_start3A_18 = arith.constant 0 : i32
    %dma_start3A_19 = arith.constant 0 : i32
    %dma_start3A_20 = tpu.memref_slice %arg2[%dma_start3A_18, %dma_start3A_19] : memref<50176x32xf32, #tpu.memory_space<hbm>> -> memref<50176x32xf32, #tpu.memory_space<hbm>>
    tpu.enqueue_indirect_dma source(%dma_start3A_20 : memref<50176x32xf32, #tpu.memory_space<hbm>>) target(%arg7 : memref<128x32xf32, #tpu.memory_space<vmem>>) offsets(%dma_start3A_17 : memref<128xi32, #tpu.memory_space<vmem>>) semaphore(%arg9 : memref<!tpu.dma_semaphore, #tpu.memory_space<semaphore_mem>>)
    %dma_wait3A = arith.constant 194 : i32
    %dma_wait3A_21 = arith.constant 0 : i32
    %dma_wait3A_22 = tpu.memref_slice %arg5[%dma_wait3A, %dma_wait3A_21] : memref<196x128xi32, #tpu.memory_space<vmem>> -> memref<1x128xi32, #tpu.memory_space<vmem>>
    %dma_wait3A_23 = tpu.memref_squeeze %dma_wait3A_22 : memref<1x128xi32, #tpu.memory_space<vmem>> -> memref<128xi32, #tpu.memory_space<vmem>>
    %dma_wait3A_24 = arith.constant 0 : i32
    %dma_wait3A_25 = arith.constant 0 : i32
    %dma_wait3A_26 = tpu.memref_slice %arg2[%dma_wait3A_24, %dma_wait3A_25] : memref<50176x32xf32, #tpu.memory_space<hbm>> -> memref<50176x32xf32, #tpu.memory_space<hbm>>
    tpu.wait_indirect_dma semaphore(%arg8 : memref<!tpu.dma_semaphore, #tpu.memory_space<semaphore_mem>>) src(%dma_wait3A_26 : memref<50176x32xf32, #tpu.memory_space<hbm>>) dst(%arg6 : memref<128x32xf32, #tpu.memory_space<vmem>>)
    %add3A_27 = arith.constant 24832 : i32
    %add3A_28 = arith.addi %mul3A_2, %add3A_27 : i32
    "tpu.region"() ({
      %run_scoped3A = tpu.sem_alloc : memref<!tpu.dma_semaphore, #tpu.memory_space<semaphore_mem>>
      %dma_start3A_38 = arith.constant 0 : i32
      %dma_start3A_39 = tpu.memref_slice %arg4[%add3A_28, %dma_start3A_38] : memref<802816x32xf32, #tpu.memory_space<hbm>> -> memref<128x32xf32, #tpu.memory_space<hbm>>
      %dma_start3A_40 = arith.constant 0 : i32
      %dma_start3A_41 = tpu.memref_slice %arg4[%add3A_28, %dma_start3A_40] : memref<802816x32xf32, #tpu.memory_space<hbm>> -> memref<128x32xf32, #tpu.memory_space<hbm>>
      tpu.enqueue_dma source(%arg6 : memref<128x32xf32, #tpu.memory_space<vmem>>) target(%dma_start3A_41 : memref<128x32xf32, #tpu.memory_space<hbm>>) target_semaphore(%run_scoped3A : memref<!tpu.dma_semaphore, #tpu.memory_space<semaphore_mem>>)
      %dma_wait3A_42 = arith.constant 0 : i32
      %dma_wait3A_43 = tpu.memref_slice %arg4[%add3A_28, %dma_wait3A_42] : memref<802816x32xf32, #tpu.memory_space<hbm>> -> memref<128x32xf32, #tpu.memory_space<hbm>>
      %dma_wait3A_44 = arith.constant 0 : i32
      %dma_wait3A_45 = tpu.memref_slice %arg4[%add3A_28, %dma_wait3A_44] : memref<802816x32xf32, #tpu.memory_space<hbm>> -> memref<128x32xf32, #tpu.memory_space<hbm>>
      tpu.wait_dma2 semaphore(%run_scoped3A : memref<!tpu.dma_semaphore, #tpu.memory_space<semaphore_mem>>) src(%arg6 : memref<128x32xf32, #tpu.memory_space<vmem>>) dst(%dma_wait3A_45 : memref<128x32xf32, #tpu.memory_space<hbm>>)
      tpu.yield
    }) : () -> ()
    %dma_wait3A_29 = arith.constant 195 : i32
    %dma_wait3A_30 = arith.constant 0 : i32
    %dma_wait3A_31 = tpu.memref_slice %arg5[%dma_wait3A_29, %dma_wait3A_30] : memref<196x128xi32, #tpu.memory_space<vmem>> -> memref<1x128xi32, #tpu.memory_space<vmem>>
    %dma_wait3A_32 = tpu.memref_squeeze %dma_wait3A_31 : memref<1x128xi32, #tpu.memory_space<vmem>> -> memref<128xi32, #tpu.memory_space<vmem>>
    %dma_wait3A_33 = arith.constant 0 : i32
    %dma_wait3A_34 = arith.constant 0 : i32
    %dma_wait3A_35 = tpu.memref_slice %arg2[%dma_wait3A_33, %dma_wait3A_34] : memref<50176x32xf32, #tpu.memory_space<hbm>> -> memref<50176x32xf32, #tpu.memory_space<hbm>>
    tpu.wait_indirect_dma semaphore(%arg9 : memref<!tpu.dma_semaphore, #tpu.memory_space<semaphore_mem>>) src(%dma_wait3A_35 : memref<50176x32xf32, #tpu.memory_space<hbm>>) dst(%arg7 : memref<128x32xf32, #tpu.memory_space<vmem>>)
    %add3A_36 = arith.constant 24960 : i32
    %add3A_37 = arith.addi %mul3A_2, %add3A_36 : i32
    "tpu.region"() ({
      %run_scoped3A = tpu.sem_alloc : memref<!tpu.dma_semaphore, #tpu.memory_space<semaphore_mem>>
      %dma_start3A_38 = arith.constant 0 : i32
      %dma_start3A_39 = tpu.memref_slice %arg4[%add3A_37, %dma_start3A_38] : memref<802816x32xf32, #tpu.memory_space<hbm>> -> memref<128x32xf32, #tpu.memory_space<hbm>>
      %dma_start3A_40 = arith.constant 0 : i32
      %dma_start3A_41 = tpu.memref_slice %arg4[%add3A_37, %dma_start3A_40] : memref<802816x32xf32, #tpu.memory_space<hbm>> -> memref<128x32xf32, #tpu.memory_space<hbm>>
      tpu.enqueue_dma source(%arg7 : memref<128x32xf32, #tpu.memory_space<vmem>>) target(%dma_start3A_41 : memref<128x32xf32, #tpu.memory_space<hbm>>) target_semaphore(%run_scoped3A : memref<!tpu.dma_semaphore, #tpu.memory_space<semaphore_mem>>)
      %dma_wait3A_42 = arith.constant 0 : i32
      %dma_wait3A_43 = tpu.memref_slice %arg4[%add3A_37, %dma_wait3A_42] : memref<802816x32xf32, #tpu.memory_space<hbm>> -> memref<128x32xf32, #tpu.memory_space<hbm>>
      %dma_wait3A_44 = arith.constant 0 : i32
      %dma_wait3A_45 = tpu.memref_slice %arg4[%add3A_37, %dma_wait3A_44] : memref<802816x32xf32, #tpu.memory_space<hbm>> -> memref<128x32xf32, #tpu.memory_space<hbm>>
      tpu.wait_dma2 semaphore(%run_scoped3A : memref<!tpu.dma_semaphore, #tpu.memory_space<semaphore_mem>>) src(%arg7 : memref<128x32xf32, #tpu.memory_space<vmem>>) dst(%dma_wait3A_45 : memref<128x32xf32, #tpu.memory_space<hbm>>)
      tpu.yield
    }) : () -> ()
    return
  }
}

#map = affine_map<(d0, d1) -> (0, 0)>
#map1 = affine_map<(d0, d1) -> (0, 0, 0)>
module attributes {stable_mosaic.version = 14 : i64} {
  func.func @k(%arg0: i32, %arg1: i32, %arg2: memref<50176x32xf32, #tpu.memory_space<hbm>>, %arg3: memref<32x196x128xi32, #tpu.memory_space<hbm>>, %arg4: memref<802816x32xf32, #tpu.memory_space<hbm>>, %arg5: memref<196x128xi32, #tpu.memory_space<vmem>>, %arg6: memref<128x32xf32, #tpu.memory_space<vmem>>, %arg7: memref<128x32xf32, #tpu.memory_space<vmem>>, %arg8: memref<!tpu.dma_semaphore, #tpu.memory_space<semaphore_mem>>, %arg9: memref<!tpu.dma_semaphore, #tpu.memory_space<semaphore_mem>>) attributes {dimension_semantics = [#tpu.dimension_semantics<core_parallel>, #tpu.dimension_semantics<subcore_parallel>], iteration_bounds = array<i64: 2, 16>, scalar_prefetch = 0 : i64, scratch_operands = 5 : i64, tpu.core_type = #tpu.core_type<sc_vector_subcore>, window_params = [{transform_indices = #map}, {transform_indices = #map1}, {transform_indices = #map}]} {
    %mul3A = arith.constant 2 : i32
    %mul3A_0 = arith.muli %arg1, %mul3A : i32
    %add3A = arith.addi %mul3A_0, %arg0 : i32
    "tpu.region"() ({
      %run_scoped3A = tpu.sem_alloc : memref<!tpu.dma_semaphore, #tpu.memory_space<semaphore_mem>>
      %dma_start3A_38 = arith.constant 0 : i32
      %dma_start3A_39 = arith.constant 0 : i32
      %dma_start3A_40 = tpu.memref_slice %arg3[%add3A, %dma_start3A_38, %dma_start3A_39] : memref<32x196x128xi32, #tpu.memory_space<hbm>> -> memref<1x196x128xi32, #tpu.memory_space<hbm>>
      %dma_start3A_41 = tpu.memref_squeeze %dma_start3A_40 : memref<1x196x128xi32, #tpu.memory_space<hbm>> -> memref<196x128xi32, #tpu.memory_space<hbm>>
      %dma_start3A_42 = arith.constant 0 : i32
      %dma_start3A_43 = arith.constant 0 : i32
      %dma_start3A_44 = tpu.memref_slice %arg3[%add3A, %dma_start3A_42, %dma_start3A_43] : memref<32x196x128xi32, #tpu.memory_space<hbm>> -> memref<1x196x128xi32, #tpu.memory_space<hbm>>
      %dma_start3A_45 = tpu.memref_squeeze %dma_start3A_44 : memref<1x196x128xi32, #tpu.memory_space<hbm>> -> memref<196x128xi32, #tpu.memory_space<hbm>>
      tpu.enqueue_dma source(%dma_start3A_45 : memref<196x128xi32, #tpu.memory_space<hbm>>) target(%arg5 : memref<196x128xi32, #tpu.memory_space<vmem>>) target_semaphore(%run_scoped3A : memref<!tpu.dma_semaphore, #tpu.memory_space<semaphore_mem>>)
      %dma_wait3A_46 = arith.constant 0 : i32
      %dma_wait3A_47 = arith.constant 0 : i32
      %dma_wait3A_48 = tpu.memref_slice %arg3[%add3A, %dma_wait3A_46, %dma_wait3A_47] : memref<32x196x128xi32, #tpu.memory_space<hbm>> -> memref<1x196x128xi32, #tpu.memory_space<hbm>>
      %dma_wait3A_49 = tpu.memref_squeeze %dma_wait3A_48 : memref<1x196x128xi32, #tpu.memory_space<hbm>> -> memref<196x128xi32, #tpu.memory_space<hbm>>
      %dma_wait3A_50 = arith.constant 0 : i32
      %dma_wait3A_51 = arith.constant 0 : i32
      %dma_wait3A_52 = tpu.memref_slice %arg3[%add3A, %dma_wait3A_50, %dma_wait3A_51] : memref<32x196x128xi32, #tpu.memory_space<hbm>> -> memref<1x196x128xi32, #tpu.memory_space<hbm>>
      %dma_wait3A_53 = tpu.memref_squeeze %dma_wait3A_52 : memref<1x196x128xi32, #tpu.memory_space<hbm>> -> memref<196x128xi32, #tpu.memory_space<hbm>>
      tpu.wait_dma2 semaphore(%run_scoped3A : memref<!tpu.dma_semaphore, #tpu.memory_space<semaphore_mem>>) src(%dma_wait3A_53 : memref<196x128xi32, #tpu.memory_space<hbm>>) dst(%arg5 : memref<196x128xi32, #tpu.memory_space<vmem>>)
      tpu.yield
    }) : () -> ()
    %mul3A_1 = arith.constant 25088 : i32
    %mul3A_2 = arith.muli %add3A, %mul3A_1 : i32
    %dma_start3A = arith.constant 0 : i32
    %dma_start3A_3 = arith.constant 0 : i32
    %dma_start3A_4 = tpu.memref_slice %arg5[%dma_start3A, %dma_start3A_3] : memref<196x128xi32, #tpu.memory_space<vmem>> -> memref<1x128xi32, #tpu.memory_space<vmem>>
    %dma_start3A_5 = tpu.memref_squeeze %dma_start3A_4 : memref<1x128xi32, #tpu.memory_space<vmem>> -> memref<128xi32, #tpu.memory_space<vmem>>
    %dma_start3A_6 = arith.constant 0 : i32
    %dma_start3A_7 = arith.constant 0 : i32
    %dma_start3A_8 = tpu.memref_slice %arg2[%dma_start3A_6, %dma_start3A_7] : memref<50176x32xf32, #tpu.memory_space<hbm>> -> memref<50176x32xf32, #tpu.memory_space<hbm>>
    tpu.enqueue_indirect_dma source(%dma_start3A_8 : memref<50176x32xf32, #tpu.memory_space<hbm>>) target(%arg6 : memref<128x32xf32, #tpu.memory_space<vmem>>) offsets(%dma_start3A_5 : memref<128xi32, #tpu.memory_space<vmem>>) semaphore(%arg8 : memref<!tpu.dma_semaphore, #tpu.memory_space<semaphore_mem>>)
    %scan3A = arith.constant 0 : i32
    %scan3A_9 = arith.constant 0 : i32
    %scan3A_10 = arith.constant 97 : i32
    %scan3A_11 = arith.addi %scan3A_9, %scan3A_10 : i32
    %scan3A_12 = arith.constant 1 : i32
    scf.for %scan3A_38 = %scan3A_9 to %scan3A_11 step %scan3A_12  : i32 {
      %mul3A_39 = arith.constant 2 : i32
      %mul3A_40 = arith.muli %scan3A_38, %mul3A_39 : i32
      %add3A_41 = arith.constant 1 : i32
      %add3A_42 = arith.addi %mul3A_40, %add3A_41 : i32
      %dma_start3A_43 = arith.constant 0 : i32
      %dma_start3A_44 = tpu.memref_slice %arg5[%add3A_42, %dma_start3A_43] : memref<196x128xi32, #tpu.memory_space<vmem>> -> memref<1x128xi32, #tpu.memory_space<vmem>>
      %dma_start3A_45 = tpu.memref_squeeze %dma_start3A_44 : memref<1x128xi32, #tpu.memory_space<vmem>> -> memref<128xi32, #tpu.memory_space<vmem>>
      %dma_start3A_46 = arith.constant 0 : i32
      %dma_start3A_47 = arith.constant 0 : i32
      %dma_start3A_48 = tpu.memref_slice %arg2[%dma_start3A_46, %dma_start3A_47] : memref<50176x32xf32, #tpu.memory_space<hbm>> -> memref<50176x32xf32, #tpu.memory_space<hbm>>
      tpu.enqueue_indirect_dma source(%dma_start3A_48 : memref<50176x32xf32, #tpu.memory_space<hbm>>) target(%arg7 : memref<128x32xf32, #tpu.memory_space<vmem>>) offsets(%dma_start3A_45 : memref<128xi32, #tpu.memory_space<vmem>>) semaphore(%arg9 : memref<!tpu.dma_semaphore, #tpu.memory_space<semaphore_mem>>)
      %dma_wait3A_49 = arith.constant 0 : i32
      %dma_wait3A_50 = tpu.memref_slice %arg5[%mul3A_40, %dma_wait3A_49] : memref<196x128xi32, #tpu.memory_space<vmem>> -> memref<1x128xi32, #tpu.memory_space<vmem>>
      %dma_wait3A_51 = tpu.memref_squeeze %dma_wait3A_50 : memref<1x128xi32, #tpu.memory_space<vmem>> -> memref<128xi32, #tpu.memory_space<vmem>>
      %dma_wait3A_52 = arith.constant 0 : i32
      %dma_wait3A_53 = arith.constant 0 : i32
      %dma_wait3A_54 = tpu.memref_slice %arg2[%dma_wait3A_52, %dma_wait3A_53] : memref<50176x32xf32, #tpu.memory_space<hbm>> -> memref<50176x32xf32, #tpu.memory_space<hbm>>
      tpu.wait_indirect_dma semaphore(%arg8 : memref<!tpu.dma_semaphore, #tpu.memory_space<semaphore_mem>>) src(%dma_wait3A_54 : memref<50176x32xf32, #tpu.memory_space<hbm>>) dst(%arg6 : memref<128x32xf32, #tpu.memory_space<vmem>>)
      %mul3A_55 = arith.constant 128 : i32
      %mul3A_56 = arith.muli %mul3A_40, %mul3A_55 : i32
      %add3A_57 = arith.addi %mul3A_2, %mul3A_56 : i32
      "tpu.region"() ({
        %run_scoped3A = tpu.sem_alloc : memref<!tpu.dma_semaphore, #tpu.memory_space<semaphore_mem>>
        %dma_start3A_79 = arith.constant 0 : i32
        %dma_start3A_80 = tpu.memref_slice %arg4[%add3A_57, %dma_start3A_79] : memref<802816x32xf32, #tpu.memory_space<hbm>> -> memref<128x32xf32, #tpu.memory_space<hbm>>
        %dma_start3A_81 = arith.constant 0 : i32
        %dma_start3A_82 = tpu.memref_slice %arg4[%add3A_57, %dma_start3A_81] : memref<802816x32xf32, #tpu.memory_space<hbm>> -> memref<128x32xf32, #tpu.memory_space<hbm>>
        tpu.enqueue_dma source(%arg6 : memref<128x32xf32, #tpu.memory_space<vmem>>) target(%dma_start3A_82 : memref<128x32xf32, #tpu.memory_space<hbm>>) target_semaphore(%run_scoped3A : memref<!tpu.dma_semaphore, #tpu.memory_space<semaphore_mem>>)
        %dma_wait3A_83 = arith.constant 0 : i32
        %dma_wait3A_84 = tpu.memref_slice %arg4[%add3A_57, %dma_wait3A_83] : memref<802816x32xf32, #tpu.memory_space<hbm>> -> memref<128x32xf32, #tpu.memory_space<hbm>>
        %dma_wait3A_85 = arith.constant 0 : i32
        %dma_wait3A_86 = tpu.memref_slice %arg4[%add3A_57, %dma_wait3A_85] : memref<802816x32xf32, #tpu.memory_space<hbm>> -> memref<128x32xf32, #tpu.memory_space<hbm>>
        tpu.wait_dma2 semaphore(%run_scoped3A : memref<!tpu.dma_semaphore, #tpu.memory_space<semaphore_mem>>) src(%arg6 : memref<128x32xf32, #tpu.memory_space<vmem>>) dst(%dma_wait3A_86 : memref<128x32xf32, #tpu.memory_space<hbm>>)
        tpu.yield
      }) : () -> ()
      %add3A_58 = arith.constant 2 : i32
      %add3A_59 = arith.addi %mul3A_40, %add3A_58 : i32
      %dma_start3A_60 = arith.constant 0 : i32
      %dma_start3A_61 = tpu.memref_slice %arg5[%add3A_59, %dma_start3A_60] : memref<196x128xi32, #tpu.memory_space<vmem>> -> memref<1x128xi32, #tpu.memory_space<vmem>>
      %dma_start3A_62 = tpu.memref_squeeze %dma_start3A_61 : memref<1x128xi32, #tpu.memory_space<vmem>> -> memref<128xi32, #tpu.memory_space<vmem>>
      %dma_start3A_63 = arith.constant 0 : i32
      %dma_start3A_64 = arith.constant 0 : i32
      %dma_start3A_65 = tpu.memref_slice %arg2[%dma_start3A_63, %dma_start3A_64] : memref<50176x32xf32, #tpu.memory_space<hbm>> -> memref<50176x32xf32, #tpu.memory_space<hbm>>
      tpu.enqueue_indirect_dma source(%dma_start3A_65 : memref<50176x32xf32, #tpu.memory_space<hbm>>) target(%arg6 : memref<128x32xf32, #tpu.memory_space<vmem>>) offsets(%dma_start3A_62 : memref<128xi32, #tpu.memory_space<vmem>>) semaphore(%arg8 : memref<!tpu.dma_semaphore, #tpu.memory_space<semaphore_mem>>)
      %add3A_66 = arith.constant 1 : i32
      %add3A_67 = arith.addi %mul3A_40, %add3A_66 : i32
      %dma_wait3A_68 = arith.constant 0 : i32
      %dma_wait3A_69 = tpu.memref_slice %arg5[%add3A_67, %dma_wait3A_68] : memref<196x128xi32, #tpu.memory_space<vmem>> -> memref<1x128xi32, #tpu.memory_space<vmem>>
      %dma_wait3A_70 = tpu.memref_squeeze %dma_wait3A_69 : memref<1x128xi32, #tpu.memory_space<vmem>> -> memref<128xi32, #tpu.memory_space<vmem>>
      %dma_wait3A_71 = arith.constant 0 : i32
      %dma_wait3A_72 = arith.constant 0 : i32
      %dma_wait3A_73 = tpu.memref_slice %arg2[%dma_wait3A_71, %dma_wait3A_72] : memref<50176x32xf32, #tpu.memory_space<hbm>> -> memref<50176x32xf32, #tpu.memory_space<hbm>>
      tpu.wait_indirect_dma semaphore(%arg9 : memref<!tpu.dma_semaphore, #tpu.memory_space<semaphore_mem>>) src(%dma_wait3A_73 : memref<50176x32xf32, #tpu.memory_space<hbm>>) dst(%arg7 : memref<128x32xf32, #tpu.memory_space<vmem>>)
      %add3A_74 = arith.constant 1 : i32
      %add3A_75 = arith.addi %mul3A_40, %add3A_74 : i32
      %mul3A_76 = arith.constant 128 : i32
      %mul3A_77 = arith.muli %add3A_75, %mul3A_76 : i32
      %add3A_78 = arith.addi %mul3A_2, %mul3A_77 : i32
      "tpu.region"() ({
        %run_scoped3A = tpu.sem_alloc : memref<!tpu.dma_semaphore, #tpu.memory_space<semaphore_mem>>
        %dma_start3A_79 = arith.constant 0 : i32
        %dma_start3A_80 = tpu.memref_slice %arg4[%add3A_78, %dma_start3A_79] : memref<802816x32xf32, #tpu.memory_space<hbm>> -> memref<128x32xf32, #tpu.memory_space<hbm>>
        %dma_start3A_81 = arith.constant 0 : i32
        %dma_start3A_82 = tpu.memref_slice %arg4[%add3A_78, %dma_start3A_81] : memref<802816x32xf32, #tpu.memory_space<hbm>> -> memref<128x32xf32, #tpu.memory_space<hbm>>
        tpu.enqueue_dma source(%arg7 : memref<128x32xf32, #tpu.memory_space<vmem>>) target(%dma_start3A_82 : memref<128x32xf32, #tpu.memory_space<hbm>>) target_semaphore(%run_scoped3A : memref<!tpu.dma_semaphore, #tpu.memory_space<semaphore_mem>>)
        %dma_wait3A_83 = arith.constant 0 : i32
        %dma_wait3A_84 = tpu.memref_slice %arg4[%add3A_78, %dma_wait3A_83] : memref<802816x32xf32, #tpu.memory_space<hbm>> -> memref<128x32xf32, #tpu.memory_space<hbm>>
        %dma_wait3A_85 = arith.constant 0 : i32
        %dma_wait3A_86 = tpu.memref_slice %arg4[%add3A_78, %dma_wait3A_85] : memref<802816x32xf32, #tpu.memory_space<hbm>> -> memref<128x32xf32, #tpu.memory_space<hbm>>
        tpu.wait_dma2 semaphore(%run_scoped3A : memref<!tpu.dma_semaphore, #tpu.memory_space<semaphore_mem>>) src(%arg7 : memref<128x32xf32, #tpu.memory_space<vmem>>) dst(%dma_wait3A_86 : memref<128x32xf32, #tpu.memory_space<hbm>>)
        tpu.yield
      }) : () -> ()
    }
    %scan3A_13 = arith.constant 97 : i32
    %dma_start3A_14 = arith.constant 195 : i32
    %dma_start3A_15 = arith.constant 0 : i32
    %dma_start3A_16 = tpu.memref_slice %arg5[%dma_start3A_14, %dma_start3A_15] : memref<196x128xi32, #tpu.memory_space<vmem>> -> memref<1x128xi32, #tpu.memory_space<vmem>>
    %dma_start3A_17 = tpu.memref_squeeze %dma_start3A_16 : memref<1x128xi32, #tpu.memory_space<vmem>> -> memref<128xi32, #tpu.memory_space<vmem>>
    %dma_start3A_18 = arith.constant 0 : i32
    %dma_start3A_19 = arith.constant 0 : i32
    %dma_start3A_20 = tpu.memref_slice %arg2[%dma_start3A_18, %dma_start3A_19] : memref<50176x32xf32, #tpu.memory_space<hbm>> -> memref<50176x32xf32, #tpu.memory_space<hbm>>
    tpu.enqueue_indirect_dma source(%dma_start3A_20 : memref<50176x32xf32, #tpu.memory_space<hbm>>) target(%arg7 : memref<128x32xf32, #tpu.memory_space<vmem>>) offsets(%dma_start3A_17 : memref<128xi32, #tpu.memory_space<vmem>>) semaphore(%arg9 : memref<!tpu.dma_semaphore, #tpu.memory_space<semaphore_mem>>)
    %dma_wait3A = arith.constant 194 : i32
    %dma_wait3A_21 = arith.constant 0 : i32
    %dma_wait3A_22 = tpu.memref_slice %arg5[%dma_wait3A, %dma_wait3A_21] : memref<196x128xi32, #tpu.memory_space<vmem>> -> memref<1x128xi32, #tpu.memory_space<vmem>>
    %dma_wait3A_23 = tpu.memref_squeeze %dma_wait3A_22 : memref<1x128xi32, #tpu.memory_space<vmem>> -> memref<128xi32, #tpu.memory_space<vmem>>
    %dma_wait3A_24 = arith.constant 0 : i32
    %dma_wait3A_25 = arith.constant 0 : i32
    %dma_wait3A_26 = tpu.memref_slice %arg2[%dma_wait3A_24, %dma_wait3A_25] : memref<50176x32xf32, #tpu.memory_space<hbm>> -> memref<50176x32xf32, #tpu.memory_space<hbm>>
    tpu.wait_indirect_dma semaphore(%arg8 : memref<!tpu.dma_semaphore, #tpu.memory_space<semaphore_mem>>) src(%dma_wait3A_26 : memref<50176x32xf32, #tpu.memory_space<hbm>>) dst(%arg6 : memref<128x32xf32, #tpu.memory_space<vmem>>)
    %add3A_27 = arith.constant 24832 : i32
    %add3A_28 = arith.addi %mul3A_2, %add3A_27 : i32
    "tpu.region"() ({
      %run_scoped3A = tpu.sem_alloc : memref<!tpu.dma_semaphore, #tpu.memory_space<semaphore_mem>>
      %dma_start3A_38 = arith.constant 0 : i32
      %dma_start3A_39 = tpu.memref_slice %arg4[%add3A_28, %dma_start3A_38] : memref<802816x32xf32, #tpu.memory_space<hbm>> -> memref<128x32xf32, #tpu.memory_space<hbm>>
      %dma_start3A_40 = arith.constant 0 : i32
      %dma_start3A_41 = tpu.memref_slice %arg4[%add3A_28, %dma_start3A_40] : memref<802816x32xf32, #tpu.memory_space<hbm>> -> memref<128x32xf32, #tpu.memory_space<hbm>>
      tpu.enqueue_dma source(%arg6 : memref<128x32xf32, #tpu.memory_space<vmem>>) target(%dma_start3A_41 : memref<128x32xf32, #tpu.memory_space<hbm>>) target_semaphore(%run_scoped3A : memref<!tpu.dma_semaphore, #tpu.memory_space<semaphore_mem>>)
      %dma_wait3A_42 = arith.constant 0 : i32
      %dma_wait3A_43 = tpu.memref_slice %arg4[%add3A_28, %dma_wait3A_42] : memref<802816x32xf32, #tpu.memory_space<hbm>> -> memref<128x32xf32, #tpu.memory_space<hbm>>
      %dma_wait3A_44 = arith.constant 0 : i32
      %dma_wait3A_45 = tpu.memref_slice %arg4[%add3A_28, %dma_wait3A_44] : memref<802816x32xf32, #tpu.memory_space<hbm>> -> memref<128x32xf32, #tpu.memory_space<hbm>>
      tpu.wait_dma2 semaphore(%run_scoped3A : memref<!tpu.dma_semaphore, #tpu.memory_space<semaphore_mem>>) src(%arg6 : memref<128x32xf32, #tpu.memory_space<vmem>>) dst(%dma_wait3A_45 : memref<128x32xf32, #tpu.memory_space<hbm>>)
      tpu.yield
    }) : () -> ()
    %dma_wait3A_29 = arith.constant 195 : i32
    %dma_wait3A_30 = arith.constant 0 : i32
    %dma_wait3A_31 = tpu.memref_slice %arg5[%dma_wait3A_29, %dma_wait3A_30] : memref<196x128xi32, #tpu.memory_space<vmem>> -> memref<1x128xi32, #tpu.memory_space<vmem>>
    %dma_wait3A_32 = tpu.memref_squeeze %dma_wait3A_31 : memref<1x128xi32, #tpu.memory_space<vmem>> -> memref<128xi32, #tpu.memory_space<vmem>>
    %dma_wait3A_33 = arith.constant 0 : i32
    %dma_wait3A_34 = arith.constant 0 : i32
    %dma_wait3A_35 = tpu.memref_slice %arg2[%dma_wait3A_33, %dma_wait3A_34] : memref<50176x32xf32, #tpu.memory_space<hbm>> -> memref<50176x32xf32, #tpu.memory_space<hbm>>
    tpu.wait_indirect_dma semaphore(%arg9 : memref<!tpu.dma_semaphore, #tpu.memory_space<semaphore_mem>>) src(%dma_wait3A_35 : memref<50176x32xf32, #tpu.memory_space<hbm>>) dst(%arg7 : memref<128x32xf32, #tpu.memory_space<vmem>>)
    %add3A_36 = arith.constant 24960 : i32
    %add3A_37 = arith.addi %mul3A_2, %add3A_36 : i32
    "tpu.region"() ({
      %run_scoped3A = tpu.sem_alloc : memref<!tpu.dma_semaphore, #tpu.memory_space<semaphore_mem>>
      %dma_start3A_38 = arith.constant 0 : i32
      %dma_start3A_39 = tpu.memref_slice %arg4[%add3A_37, %dma_start3A_38] : memref<802816x32xf32, #tpu.memory_space<hbm>> -> memref<128x32xf32, #tpu.memory_space<hbm>>
      %dma_start3A_40 = arith.constant 0 : i32
      %dma_start3A_41 = tpu.memref_slice %arg4[%add3A_37, %dma_start3A_40] : memref<802816x32xf32, #tpu.memory_space<hbm>> -> memref<128x32xf32, #tpu.memory_space<hbm>>
      tpu.enqueue_dma source(%arg7 : memref<128x32xf32, #tpu.memory_space<vmem>>) target(%dma_start3A_41 : memref<128x32xf32, #tpu.memory_space<hbm>>) target_semaphore(%run_scoped3A : memref<!tpu.dma_semaphore, #tpu.memory_space<semaphore_mem>>)
      %dma_wait3A_42 = arith.constant 0 : i32
      %dma_wait3A_43 = tpu.memref_slice %arg4[%add3A_37, %dma_wait3A_42] : memref<802816x32xf32, #tpu.memory_space<hbm>> -> memref<128x32xf32, #tpu.memory_space<hbm>>
      %dma_wait3A_44 = arith.constant 0 : i32
      %dma_wait3A_45 = tpu.memref_slice %arg4[%add3A_37, %dma_wait3A_44] : memref<802816x32xf32, #tpu.memory_space<hbm>> -> memref<128x32xf32, #tpu.memory_space<hbm>>
      tpu.wait_dma2 semaphore(%run_scoped3A : memref<!tpu.dma_semaphore, #tpu.memory_space<semaphore_mem>>) src(%arg7 : memref<128x32xf32, #tpu.memory_space<vmem>>) dst(%dma_wait3A_45 : memref<128x32xf32, #tpu.memory_space<hbm>>)
      tpu.yield
    }) : () -> ()
    return
  }
}

module attributes {stable_mosaic.version = 14 : i64} {
  func.func @body(%arg0: i32, %arg1: memref<1024x128xf32, #tpu.memory_space<vmem>>, %arg2: memref<128x32xf32, #tpu.memory_space<vmem>>, %arg3: memref<1x32xf32, #tpu.memory_space<vmem>>, %arg4: memref<1024x32xf32, #tpu.memory_space<vmem>>) attributes {dimension_semantics = [#tpu.dimension_semantics<arbitrary>], iteration_bounds = array<i64: 49>, scalar_prefetch = 0 : i64, scratch_operands = 0 : i64, tpu.core_type = #tpu.core_type<tc>, window_params = [{transform_indices = @transform_0, window_bounds = array<i64: 1024, 128>}, {pipeline_mode = #tpu.pipeline_mode<synchronous>, transform_indices = @transform_1, window_bounds = array<i64: 128, 32>}, {pipeline_mode = #tpu.pipeline_mode<synchronous>, transform_indices = @transform_2, window_bounds = array<i64: 1, 32>}, {transform_indices = @transform_3, window_bounds = array<i64: 1024, 32>}]} {
    %get3A = arith.constant 0 : index
    %get3A_0 = arith.constant 0 : index
    %get3A_1 = vector.load %arg1[%get3A, %get3A_0] : memref<1024x128xf32, #tpu.memory_space<vmem>>, vector<1024x128xf32>
    %get3A_2 = arith.constant 0 : index
    %get3A_3 = arith.constant 0 : index
    %get3A_4 = vector.load %arg2[%get3A_2, %get3A_3] : memref<128x32xf32, #tpu.memory_space<vmem>>, vector<128x32xf32>
    %dot_general3A = arith.constant dense<0.000000e+00> : vector<1024x32xf32>
    %dot_general3A_5 = tpu.matmul %get3A_1, %get3A_4, %dot_general3A {dimension_numbers = #tpu.dot_dimension_numbers<[1], [0], [0], [1], [0, 0, 1, 1], [], []>, transpose_lhs_hint = false} : vector<1024x128xf32>, vector<128x32xf32>, vector<1024x32xf32> -> vector<1024x32xf32>
    %get3A_6 = arith.constant 0 : index
    %get3A_7 = arith.constant 0 : index
    %get3A_8 = vector.load %arg3[%get3A_6, %get3A_7] : memref<1x32xf32, #tpu.memory_space<vmem>>, vector<1x32xf32>
    %add3A = vector.broadcast %get3A_8 : vector<1x32xf32> to vector<1024x32xf32>
    %add3A_9 = arith.addf %dot_general3A_5, %add3A : vector<1024x32xf32>
    %swap3A = arith.constant 0 : index
    %swap3A_10 = arith.constant 0 : index
    %swap3A_11 = vector.load %arg4[%swap3A, %swap3A_10] : memref<1024x32xf32, #tpu.memory_space<vmem>>, vector<1024x32xf32>
    tpu.vector_store %arg4[%swap3A, %swap3A_10], %add3A_9 {strides = array<i32>} : memref<1024x32xf32, #tpu.memory_space<vmem>>, vector<1024x32xf32>,
    return
  }
  func.func @transform_0(%arg0: i32) -> (i32, i32) {
    %c0_i32 = arith.constant 0 : i32
    %c0_i32_0 = arith.constant 0 : i32
    return %arg0, %c0_i32 : i32, i32
  }
  func.func @transform_1(%arg0: i32) -> (i32, i32) {
    %c0_i32 = arith.constant 0 : i32
    %c0_i32_0 = arith.constant 0 : i32
    %c0_i32_1 = arith.constant 0 : i32
    return %c0_i32, %c0_i32_0 : i32, i32
  }
  func.func @transform_2(%arg0: i32) -> (i32, i32) {
    %c0_i32 = arith.constant 0 : i32
    %c0_i32_0 = arith.constant 0 : i32
    %c0_i32_1 = arith.constant 0 : i32
    return %c0_i32, %c0_i32_0 : i32, i32
  }
  func.func @transform_3(%arg0: i32) -> (i32, i32) {
    %c0_i32 = arith.constant 0 : i32
    %c0_i32_0 = arith.constant 0 : i32
    return %arg0, %c0_i32 : i32, i32
  }
}

module attributes {stable_mosaic.version = 14 : i64} {
  func.func @body(%arg0: i32, %arg1: memref<1024x32xf32, #tpu.memory_space<vmem>>, %arg2: memref<4096x128xf32, #tpu.memory_space<vmem>>, %arg3: memref<16x4096xf32, #tpu.memory_space<vmem>>, %arg4: memref<32x256xf32, #tpu.memory_space<vmem>>, %arg5: memref<128x256xf32, #tpu.memory_space<vmem>>, %arg6: memref<16x256xf32, #tpu.memory_space<vmem>>, %arg7: memref<1x256xf32, #tpu.memory_space<vmem>>, %arg8: memref<2x64xf32, #tpu.memory_space<vmem>>) attributes {dimension_semantics = [#tpu.dimension_semantics<arbitrary>], iteration_bounds = array<i64: 49>, scalar_prefetch = 0 : i64, scratch_operands = 0 : i64, tpu.core_type = #tpu.core_type<tc>, window_params = [{transform_indices = @transform_0, window_bounds = array<i64: 1024, 32>}, {transform_indices = @transform_1, window_bounds = array<i64: 4096, 128>}, {transform_indices = @transform_2, window_bounds = array<i64: 16, 4096>}, {pipeline_mode = #tpu.pipeline_mode<synchronous>, transform_indices = @transform_3, window_bounds = array<i64: 32, 256>}, {pipeline_mode = #tpu.pipeline_mode<synchronous>, transform_indices = @transform_4, window_bounds = array<i64: 128, 256>}, {pipeline_mode = #tpu.pipeline_mode<synchronous>, transform_indices = @transform_5, window_bounds = array<i64: 16, 256>}, {pipeline_mode = #tpu.pipeline_mode<synchronous>, transform_indices = @transform_6, window_bounds = array<i64: 1, 256>}, {pipeline_mode = #tpu.pipeline_mode<synchronous>, transform_indices = @transform_7, window_bounds = array<i64: 2, 64>}]} {
    %get3A = arith.constant 0 : index
    %get3A_0 = arith.constant 0 : index
    %get3A_1 = vector.load %arg1[%get3A, %get3A_0] : memref<1024x32xf32, #tpu.memory_space<vmem>>, vector<1024x32xf32>
    %get3A_2 = arith.constant 0 : index
    %get3A_3 = arith.constant 0 : index
    %get3A_4 = vector.load %arg2[%get3A_2, %get3A_3] : memref<4096x128xf32, #tpu.memory_space<vmem>>, vector<4096x128xf32>
    %get3A_5 = arith.constant 0 : index
    %get3A_6 = arith.constant 0 : index
    %get3A_7 = vector.load %arg3[%get3A_5, %get3A_6] : memref<16x4096xf32, #tpu.memory_space<vmem>>, vector<16x4096xf32>
    %get3A_8 = arith.constant 0 : index
    %get3A_9 = arith.constant 0 : index
    %get3A_10 = vector.load %arg4[%get3A_8, %get3A_9] : memref<32x256xf32, #tpu.memory_space<vmem>>, vector<32x256xf32>
    %get3A_11 = arith.constant 0 : index
    %get3A_12 = arith.constant 0 : index
    %get3A_13 = vector.load %arg5[%get3A_11, %get3A_12] : memref<128x256xf32, #tpu.memory_space<vmem>>, vector<128x256xf32>
    %get3A_14 = arith.constant 0 : index
    %get3A_15 = arith.constant 0 : index
    %get3A_16 = vector.load %arg6[%get3A_14, %get3A_15] : memref<16x256xf32, #tpu.memory_space<vmem>>, vector<16x256xf32>
    %get3A_17 = arith.constant 0 : index
    %get3A_18 = arith.constant 0 : index
    %get3A_19 = vector.load %arg7[%get3A_17, %get3A_18] : memref<1x256xf32, #tpu.memory_space<vmem>>, vector<1x256xf32>
    %dot_general3A = arith.constant dense<0.000000e+00> : vector<1024x256xf32>
    %dot_general3A_20 = tpu.matmul %get3A_1, %get3A_10, %dot_general3A {dimension_numbers = #tpu.dot_dimension_numbers<[1], [0], [0], [1], [0, 0, 1, 1], [], []>, transpose_lhs_hint = false} : vector<1024x32xf32>, vector<32x256xf32>, vector<1024x256xf32> -> vector<1024x256xf32>
    %broadcast_in_dim3A = vector.shape_cast %dot_general3A_20 : vector<1024x256xf32> to vector<1024x1x256xf32>
    %broadcast_in_dim3A_21 = vector.shape_cast %broadcast_in_dim3A : vector<1024x1x256xf32> to vector<1024x1x256xf32>
    %broadcast_in_dim3A_22 = vector.broadcast %broadcast_in_dim3A_21 : vector<1024x1x256xf32> to vector<1024x4x256xf32>
    %reshape3A = vector.shape_cast %broadcast_in_dim3A_22 : vector<1024x4x256xf32> to vector<4096x256xf32>
    %dot_general3A_23 = arith.constant dense<0.000000e+00> : vector<4096x256xf32>
    %dot_general3A_24 = tpu.matmul %get3A_7, %get3A_16, %dot_general3A_23 {dimension_numbers = #tpu.dot_dimension_numbers<[0], [0], [1], [1], [0, 1, 1, 1], [], []>, transpose_lhs_hint = false} : vector<16x4096xf32>, vector<16x256xf32>, vector<4096x256xf32> -> vector<4096x256xf32>
    %dot_general3A_25 = arith.constant dense<0.000000e+00> : vector<4096x256xf32>
    %dot_general3A_26 = tpu.matmul %get3A_4, %get3A_13, %dot_general3A_25 {dimension_numbers = #tpu.dot_dimension_numbers<[1], [0], [0], [1], [0, 0, 1, 1], [], []>, transpose_lhs_hint = false} : vector<4096x128xf32>, vector<128x256xf32>, vector<4096x256xf32> -> vector<4096x256xf32>
    %add3A = arith.addf %dot_general3A_26, %dot_general3A_24 : vector<4096x256xf32>
    %add3A_27 = vector.broadcast %get3A_19 : vector<1x256xf32> to vector<4096x256xf32>
    %add3A_28 = arith.addf %add3A, %add3A_27 : vector<4096x256xf32>
    %add3A_29 = arith.addf %reshape3A, %add3A_28 : vector<4096x256xf32>
    %eq3A = arith.constant 0 : i32
    %eq3A_30 = arith.cmpi eq, %arg0, %eq3A : i32
    %convert_element_type3A = arith.extui %eq3A_30 : i1 to i32
    %cond3A = arith.constant 0 : i32
    %cond3A_31 = arith.cmpi ne, %convert_element_type3A, %cond3A : i32
    scf.if %cond3A_31 {
      %broadcast_in_dim3A_41 = arith.constant 0.000000e+00 : f32
      %broadcast_in_dim3A_42 = vector.broadcast %broadcast_in_dim3A_41 : f32 to vector<2x64xf32>
      %swap3A = arith.constant 0 : index
      %swap3A_43 = arith.constant 0 : index
      %swap3A_44 = vector.load %arg8[%swap3A, %swap3A_43] : memref<2x64xf32, #tpu.memory_space<vmem>>, vector<2x64xf32>
      tpu.vector_store %arg8[%swap3A, %swap3A_43], %broadcast_in_dim3A_42 {strides = array<i32>} : memref<2x64xf32, #tpu.memory_space<vmem>>, vector<2x64xf32>,
    } else {
    }
    %eq3A_32 = arith.constant 48 : i32
    %eq3A_33 = arith.cmpi eq, %arg0, %eq3A_32 : i32
    %convert_element_type3A_34 = arith.extui %eq3A_33 : i1 to i32
    %cond3A_35 = arith.constant 0 : i32
    %cond3A_36 = arith.cmpi ne, %convert_element_type3A_34, %cond3A_35 : i32
    scf.if %cond3A_36 {
      %iota3A = tpu.iota {dimensions = array<i32: 0>} : vector<4096x1xi32>
      %lt3A_41 = arith.constant 3392 : i32
      %lt3A_42 = vector.broadcast %lt3A_41 : i32 to vector<4096x1xi32>
      %lt3A_43 = arith.cmpi slt, %iota3A, %lt3A_42 : vector<4096x1xi32>
      %jit3A = arith.constant 0.000000e+00 : f32
      %broadcast_in_dim3A_44 = vector.shape_cast %lt3A_43 : vector<4096x1xi1> to vector<4096x1xi1>
      %broadcast_in_dim3A_45 = vector.broadcast %broadcast_in_dim3A_44 : vector<4096x1xi1> to vector<4096x256xi1>
      %broadcast_in_dim3A_46 = vector.broadcast %jit3A : f32 to vector<4096x256xf32>
      %select_n3A = arith.select %broadcast_in_dim3A_45, %add3A_29, %broadcast_in_dim3A_46 : vector<4096x256xi1>, vector<4096x256xf32>
      %reduce_sum3A = arith.constant dense<0.000000e+00> : vector<256xf32>
      %reduce_sum3A_47 = vector.multi_reduction <add>, %select_n3A, %reduce_sum3A [0] : vector<4096x256xf32> to vector<256xf32>
      %broadcast_in_dim3A_48 = vector.shape_cast %reduce_sum3A_47 : vector<256xf32> to vector<1x256xf32>
      %slice3A = vector.extract_strided_slice %broadcast_in_dim3A_48 {offsets = [0, 0], sizes = [1, 128], strides = [1, 1]} : vector<1x256xf32> to vector<1x128xf32>
      %slice3A_49 = vector.extract_strided_slice %slice3A {offsets = [0, 0], sizes = [1, 32], strides = [1, 1]} : vector<1x128xf32> to vector<1x32xf32>
      %slice3A_50 = vector.extract_strided_slice %slice3A {offsets = [0, 32], sizes = [1, 32], strides = [1, 1]} : vector<1x128xf32> to vector<1x32xf32>
      %add3A_51 = arith.addf %slice3A_49, %slice3A_50 : vector<1x32xf32>
      %slice3A_52 = vector.extract_strided_slice %slice3A {offsets = [0, 64], sizes = [1, 32], strides = [1, 1]} : vector<1x128xf32> to vector<1x32xf32>
      %add3A_53 = arith.addf %add3A_51, %slice3A_52 : vector<1x32xf32>
      %slice3A_54 = vector.extract_strided_slice %slice3A {offsets = [0, 96], sizes = [1, 32], strides = [1, 1]} : vector<1x128xf32> to vector<1x32xf32>
      %add3A_55 = arith.addf %add3A_53, %slice3A_54 : vector<1x32xf32>
      %slice3A_56 = vector.extract_strided_slice %broadcast_in_dim3A_48 {offsets = [0, 128], sizes = [1, 128], strides = [1, 1]} : vector<1x256xf32> to vector<1x128xf32>
      %slice3A_57 = vector.extract_strided_slice %slice3A_56 {offsets = [0, 0], sizes = [1, 32], strides = [1, 1]} : vector<1x128xf32> to vector<1x32xf32>
      %slice3A_58 = vector.extract_strided_slice %slice3A_56 {offsets = [0, 32], sizes = [1, 32], strides = [1, 1]} : vector<1x128xf32> to vector<1x32xf32>
      %add3A_59 = arith.addf %slice3A_57, %slice3A_58 : vector<1x32xf32>
      %slice3A_60 = vector.extract_strided_slice %slice3A_56 {offsets = [0, 64], sizes = [1, 32], strides = [1, 1]} : vector<1x128xf32> to vector<1x32xf32>
      %add3A_61 = arith.addf %add3A_59, %slice3A_60 : vector<1x32xf32>
      %slice3A_62 = vector.extract_strided_slice %slice3A_56 {offsets = [0, 96], sizes = [1, 32], strides = [1, 1]} : vector<1x128xf32> to vector<1x32xf32>
      %add3A_63 = arith.addf %add3A_61, %slice3A_62 : vector<1x32xf32>
      %concatenate3A = tpu.concatenate %add3A_55, %add3A_63 in 1 : vector<1x32xf32>, vector<1x32xf32> -> vector<1x64xf32>
      %mul3A = arith.mulf %select_n3A, %select_n3A : vector<4096x256xf32>
      %reduce_sum3A_64 = arith.constant dense<0.000000e+00> : vector<256xf32>
      %reduce_sum3A_65 = vector.multi_reduction <add>, %mul3A, %reduce_sum3A_64 [0] : vector<4096x256xf32> to vector<256xf32>
      %broadcast_in_dim3A_66 = vector.shape_cast %reduce_sum3A_65 : vector<256xf32> to vector<1x256xf32>
      %slice3A_67 = vector.extract_strided_slice %broadcast_in_dim3A_66 {offsets = [0, 0], sizes = [1, 128], strides = [1, 1]} : vector<1x256xf32> to vector<1x128xf32>
      %slice3A_68 = vector.extract_strided_slice %slice3A_67 {offsets = [0, 0], sizes = [1, 32], strides = [1, 1]} : vector<1x128xf32> to vector<1x32xf32>
      %slice3A_69 = vector.extract_strided_slice %slice3A_67 {offsets = [0, 32], sizes = [1, 32], strides = [1, 1]} : vector<1x128xf32> to vector<1x32xf32>
      %add3A_70 = arith.addf %slice3A_68, %slice3A_69 : vector<1x32xf32>
      %slice3A_71 = vector.extract_strided_slice %slice3A_67 {offsets = [0, 64], sizes = [1, 32], strides = [1, 1]} : vector<1x128xf32> to vector<1x32xf32>
      %add3A_72 = arith.addf %add3A_70, %slice3A_71 : vector<1x32xf32>
      %slice3A_73 = vector.extract_strided_slice %slice3A_67 {offsets = [0, 96], sizes = [1, 32], strides = [1, 1]} : vector<1x128xf32> to vector<1x32xf32>
      %add3A_74 = arith.addf %add3A_72, %slice3A_73 : vector<1x32xf32>
      %slice3A_75 = vector.extract_strided_slice %broadcast_in_dim3A_66 {offsets = [0, 128], sizes = [1, 128], strides = [1, 1]} : vector<1x256xf32> to vector<1x128xf32>
      %slice3A_76 = vector.extract_strided_slice %slice3A_75 {offsets = [0, 0], sizes = [1, 32], strides = [1, 1]} : vector<1x128xf32> to vector<1x32xf32>
      %slice3A_77 = vector.extract_strided_slice %slice3A_75 {offsets = [0, 32], sizes = [1, 32], strides = [1, 1]} : vector<1x128xf32> to vector<1x32xf32>
      %add3A_78 = arith.addf %slice3A_76, %slice3A_77 : vector<1x32xf32>
      %slice3A_79 = vector.extract_strided_slice %slice3A_75 {offsets = [0, 64], sizes = [1, 32], strides = [1, 1]} : vector<1x128xf32> to vector<1x32xf32>
      %add3A_80 = arith.addf %add3A_78, %slice3A_79 : vector<1x32xf32>
      %slice3A_81 = vector.extract_strided_slice %slice3A_75 {offsets = [0, 96], sizes = [1, 32], strides = [1, 1]} : vector<1x128xf32> to vector<1x32xf32>
      %add3A_82 = arith.addf %add3A_80, %slice3A_81 : vector<1x32xf32>
      %concatenate3A_83 = tpu.concatenate %add3A_74, %add3A_82 in 1 : vector<1x32xf32>, vector<1x32xf32> -> vector<1x64xf32>
      %get3A_84 = arith.constant 0 : index
      %get3A_85 = arith.constant 0 : index
      %get3A_86 = vector.load %arg8[%get3A_84, %get3A_85] : memref<2x64xf32, #tpu.memory_space<vmem>>, vector<2x64xf32>
      %concatenate3A_87 = tpu.concatenate %concatenate3A, %concatenate3A_83 in 0 : vector<1x64xf32>, vector<1x64xf32> -> vector<2x64xf32>
      %add3A_88 = arith.addf %get3A_86, %concatenate3A_87 : vector<2x64xf32>
      %swap3A = arith.constant 0 : index
      %swap3A_89 = arith.constant 0 : index
      %swap3A_90 = vector.load %arg8[%swap3A, %swap3A_89] : memref<2x64xf32, #tpu.memory_space<vmem>>, vector<2x64xf32>
      tpu.vector_store %arg8[%swap3A, %swap3A_89], %add3A_88 {strides = array<i32>} : memref<2x64xf32, #tpu.memory_space<vmem>>, vector<2x64xf32>,
    } else {
    }
    %lt3A = arith.constant 48 : i32
    %lt3A_37 = arith.cmpi slt, %arg0, %lt3A : i32
    %convert_element_type3A_38 = arith.extui %lt3A_37 : i1 to i32
    %cond3A_39 = arith.constant 0 : i32
    %cond3A_40 = arith.cmpi ne, %convert_element_type3A_38, %cond3A_39 : i32
    scf.if %cond3A_40 {
      %reduce_sum3A = arith.constant dense<0.000000e+00> : vector<256xf32>
      %reduce_sum3A_41 = vector.multi_reduction <add>, %add3A_29, %reduce_sum3A [0] : vector<4096x256xf32> to vector<256xf32>
      %broadcast_in_dim3A_42 = vector.shape_cast %reduce_sum3A_41 : vector<256xf32> to vector<1x256xf32>
      %slice3A = vector.extract_strided_slice %broadcast_in_dim3A_42 {offsets = [0, 0], sizes = [1, 128], strides = [1, 1]} : vector<1x256xf32> to vector<1x128xf32>
      %slice3A_43 = vector.extract_strided_slice %slice3A {offsets = [0, 0], sizes = [1, 32], strides = [1, 1]} : vector<1x128xf32> to vector<1x32xf32>
      %slice3A_44 = vector.extract_strided_slice %slice3A {offsets = [0, 32], sizes = [1, 32], strides = [1, 1]} : vector<1x128xf32> to vector<1x32xf32>
      %add3A_45 = arith.addf %slice3A_43, %slice3A_44 : vector<1x32xf32>
      %slice3A_46 = vector.extract_strided_slice %slice3A {offsets = [0, 64], sizes = [1, 32], strides = [1, 1]} : vector<1x128xf32> to vector<1x32xf32>
      %add3A_47 = arith.addf %add3A_45, %slice3A_46 : vector<1x32xf32>
      %slice3A_48 = vector.extract_strided_slice %slice3A {offsets = [0, 96], sizes = [1, 32], strides = [1, 1]} : vector<1x128xf32> to vector<1x32xf32>
      %add3A_49 = arith.addf %add3A_47, %slice3A_48 : vector<1x32xf32>
      %slice3A_50 = vector.extract_strided_slice %broadcast_in_dim3A_42 {offsets = [0, 128], sizes = [1, 128], strides = [1, 1]} : vector<1x256xf32> to vector<1x128xf32>
      %slice3A_51 = vector.extract_strided_slice %slice3A_50 {offsets = [0, 0], sizes = [1, 32], strides = [1, 1]} : vector<1x128xf32> to vector<1x32xf32>
      %slice3A_52 = vector.extract_strided_slice %slice3A_50 {offsets = [0, 32], sizes = [1, 32], strides = [1, 1]} : vector<1x128xf32> to vector<1x32xf32>
      %add3A_53 = arith.addf %slice3A_51, %slice3A_52 : vector<1x32xf32>
      %slice3A_54 = vector.extract_strided_slice %slice3A_50 {offsets = [0, 64], sizes = [1, 32], strides = [1, 1]} : vector<1x128xf32> to vector<1x32xf32>
      %add3A_55 = arith.addf %add3A_53, %slice3A_54 : vector<1x32xf32>
      %slice3A_56 = vector.extract_strided_slice %slice3A_50 {offsets = [0, 96], sizes = [1, 32], strides = [1, 1]} : vector<1x128xf32> to vector<1x32xf32>
      %add3A_57 = arith.addf %add3A_55, %slice3A_56 : vector<1x32xf32>
      %concatenate3A = tpu.concatenate %add3A_49, %add3A_57 in 1 : vector<1x32xf32>, vector<1x32xf32> -> vector<1x64xf32>
      %mul3A = arith.mulf %add3A_29, %add3A_29 : vector<4096x256xf32>
      %reduce_sum3A_58 = arith.constant dense<0.000000e+00> : vector<256xf32>
      %reduce_sum3A_59 = vector.multi_reduction <add>, %mul3A, %reduce_sum3A_58 [0] : vector<4096x256xf32> to vector<256xf32>
      %broadcast_in_dim3A_60 = vector.shape_cast %reduce_sum3A_59 : vector<256xf32> to vector<1x256xf32>
      %slice3A_61 = vector.extract_strided_slice %broadcast_in_dim3A_60 {offsets = [0, 0], sizes = [1, 128], strides = [1, 1]} : vector<1x256xf32> to vector<1x128xf32>
      %slice3A_62 = vector.extract_strided_slice %slice3A_61 {offsets = [0, 0], sizes = [1, 32], strides = [1, 1]} : vector<1x128xf32> to vector<1x32xf32>
      %slice3A_63 = vector.extract_strided_slice %slice3A_61 {offsets = [0, 32], sizes = [1, 32], strides = [1, 1]} : vector<1x128xf32> to vector<1x32xf32>
      %add3A_64 = arith.addf %slice3A_62, %slice3A_63 : vector<1x32xf32>
      %slice3A_65 = vector.extract_strided_slice %slice3A_61 {offsets = [0, 64], sizes = [1, 32], strides = [1, 1]} : vector<1x128xf32> to vector<1x32xf32>
      %add3A_66 = arith.addf %add3A_64, %slice3A_65 : vector<1x32xf32>
      %slice3A_67 = vector.extract_strided_slice %slice3A_61 {offsets = [0, 96], sizes = [1, 32], strides = [1, 1]} : vector<1x128xf32> to vector<1x32xf32>
      %add3A_68 = arith.addf %add3A_66, %slice3A_67 : vector<1x32xf32>
      %slice3A_69 = vector.extract_strided_slice %broadcast_in_dim3A_60 {offsets = [0, 128], sizes = [1, 128], strides = [1, 1]} : vector<1x256xf32> to vector<1x128xf32>
      %slice3A_70 = vector.extract_strided_slice %slice3A_69 {offsets = [0, 0], sizes = [1, 32], strides = [1, 1]} : vector<1x128xf32> to vector<1x32xf32>
      %slice3A_71 = vector.extract_strided_slice %slice3A_69 {offsets = [0, 32], sizes = [1, 32], strides = [1, 1]} : vector<1x128xf32> to vector<1x32xf32>
      %add3A_72 = arith.addf %slice3A_70, %slice3A_71 : vector<1x32xf32>
      %slice3A_73 = vector.extract_strided_slice %slice3A_69 {offsets = [0, 64], sizes = [1, 32], strides = [1, 1]} : vector<1x128xf32> to vector<1x32xf32>
      %add3A_74 = arith.addf %add3A_72, %slice3A_73 : vector<1x32xf32>
      %slice3A_75 = vector.extract_strided_slice %slice3A_69 {offsets = [0, 96], sizes = [1, 32], strides = [1, 1]} : vector<1x128xf32> to vector<1x32xf32>
      %add3A_76 = arith.addf %add3A_74, %slice3A_75 : vector<1x32xf32>
      %concatenate3A_77 = tpu.concatenate %add3A_68, %add3A_76 in 1 : vector<1x32xf32>, vector<1x32xf32> -> vector<1x64xf32>
      %get3A_78 = arith.constant 0 : index
      %get3A_79 = arith.constant 0 : index
      %get3A_80 = vector.load %arg8[%get3A_78, %get3A_79] : memref<2x64xf32, #tpu.memory_space<vmem>>, vector<2x64xf32>
      %concatenate3A_81 = tpu.concatenate %concatenate3A, %concatenate3A_77 in 0 : vector<1x64xf32>, vector<1x64xf32> -> vector<2x64xf32>
      %add3A_82 = arith.addf %get3A_80, %concatenate3A_81 : vector<2x64xf32>
      %swap3A = arith.constant 0 : index
      %swap3A_83 = arith.constant 0 : index
      %swap3A_84 = vector.load %arg8[%swap3A, %swap3A_83] : memref<2x64xf32, #tpu.memory_space<vmem>>, vector<2x64xf32>
      tpu.vector_store %arg8[%swap3A, %swap3A_83], %add3A_82 {strides = array<i32>} : memref<2x64xf32, #tpu.memory_space<vmem>>, vector<2x64xf32>,
    } else {
    }
    return
  }
  func.func @transform_0(%arg0: i32) -> (i32, i32) {
    %c0_i32 = arith.constant 0 : i32
    %c0_i32_0 = arith.constant 0 : i32
    return %arg0, %c0_i32 : i32, i32
  }
  func.func @transform_1(%arg0: i32) -> (i32, i32) {
    %c0_i32 = arith.constant 0 : i32
    %c0_i32_0 = arith.constant 0 : i32
    return %arg0, %c0_i32 : i32, i32
  }
  func.func @transform_2(%arg0: i32) -> (i32, i32) {
    %c0_i32 = arith.constant 0 : i32
    %c0_i32_0 = arith.constant 0 : i32
    return %c0_i32, %arg0 : i32, i32
  }
  func.func @transform_3(%arg0: i32) -> (i32, i32) {
    %c0_i32 = arith.constant 0 : i32
    %c0_i32_0 = arith.constant 0 : i32
    %c0_i32_1 = arith.constant 0 : i32
    return %c0_i32, %c0_i32_0 : i32, i32
  }
  func.func @transform_4(%arg0: i32) -> (i32, i32) {
    %c0_i32 = arith.constant 0 : i32
    %c0_i32_0 = arith.constant 0 : i32
    %c0_i32_1 = arith.constant 0 : i32
    return %c0_i32, %c0_i32_0 : i32, i32
  }
  func.func @transform_5(%arg0: i32) -> (i32, i32) {
    %c0_i32 = arith.constant 0 : i32
    %c0_i32_0 = arith.constant 0 : i32
    %c0_i32_1 = arith.constant 0 : i32
    return %c0_i32, %c0_i32_0 : i32, i32
  }
  func.func @transform_6(%arg0: i32) -> (i32, i32) {
    %c0_i32 = arith.constant 0 : i32
    %c0_i32_0 = arith.constant 0 : i32
    %c0_i32_1 = arith.constant 0 : i32
    return %c0_i32, %c0_i32_0 : i32, i32
  }
  func.func @transform_7(%arg0: i32) -> (i32, i32) {
    %c0_i32 = arith.constant 0 : i32
    %c0_i32_0 = arith.constant 0 : i32
    %c0_i32_1 = arith.constant 0 : i32
    return %c0_i32, %c0_i32_0 : i32, i32
  }
}

module attributes {stable_mosaic.version = 14 : i64} {
  func.func @body(%arg0: i32, %arg1: memref<1024x32xf32, #tpu.memory_space<vmem>>, %arg2: memref<4096x128xf32, #tpu.memory_space<vmem>>, %arg3: memref<16x4096xf32, #tpu.memory_space<vmem>>, %arg4: memref<32x256xf32, #tpu.memory_space<vmem>>, %arg5: memref<128x256xf32, #tpu.memory_space<vmem>>, %arg6: memref<16x256xf32, #tpu.memory_space<vmem>>, %arg7: memref<1x256xf32, #tpu.memory_space<vmem>>, %arg8: memref<2x64xf32, #tpu.memory_space<vmem>>, %arg9: memref<1x64xf32, #tpu.memory_space<vmem>>, %arg10: memref<1x64xf32, #tpu.memory_space<vmem>>, %arg11: memref<1024x32xf32, #tpu.memory_space<vmem>>, %arg12: memref<2x32xf32, #tpu.memory_space<vmem>>) attributes {dimension_semantics = [#tpu.dimension_semantics<arbitrary>], iteration_bounds = array<i64: 49>, scalar_prefetch = 0 : i64, scratch_operands = 0 : i64, tpu.core_type = #tpu.core_type<tc>, window_params = [{transform_indices = @transform_0, window_bounds = array<i64: 1024, 32>}, {transform_indices = @transform_1, window_bounds = array<i64: 4096, 128>}, {transform_indices = @transform_2, window_bounds = array<i64: 16, 4096>}, {pipeline_mode = #tpu.pipeline_mode<synchronous>, transform_indices = @transform_3, window_bounds = array<i64: 32, 256>}, {pipeline_mode = #tpu.pipeline_mode<synchronous>, transform_indices = @transform_4, window_bounds = array<i64: 128, 256>}, {pipeline_mode = #tpu.pipeline_mode<synchronous>, transform_indices = @transform_5, window_bounds = array<i64: 16, 256>}, {pipeline_mode = #tpu.pipeline_mode<synchronous>, transform_indices = @transform_6, window_bounds = array<i64: 1, 256>}, {pipeline_mode = #tpu.pipeline_mode<synchronous>, transform_indices = @transform_7, window_bounds = array<i64: 2, 64>}, {pipeline_mode = #tpu.pipeline_mode<synchronous>, transform_indices = @transform_8, window_bounds = array<i64: 1, 64>}, {pipeline_mode = #tpu.pipeline_mode<synchronous>, transform_indices = @transform_9, window_bounds = array<i64: 1, 64>}, {transform_indices = @transform_10, window_bounds = array<i64: 1024, 32>}, {pipeline_mode = #tpu.pipeline_mode<synchronous>, transform_indices = @transform_11, window_bounds = array<i64: 2, 32>}]} {
    %get3A = arith.constant 0 : index
    %get3A_0 = arith.constant 0 : index
    %get3A_1 = vector.load %arg8[%get3A, %get3A_0] : memref<2x64xf32, #tpu.memory_space<vmem>>, vector<1x64xf32>
    %div3A = arith.constant 8.000000e+05 : f32
    %div3A_2 = vector.broadcast %div3A : f32 to vector<1x64xf32>
    %div3A_3 = arith.divf %get3A_1, %div3A_2 : vector<1x64xf32>
    %get3A_4 = arith.constant 1 : index
    %get3A_5 = arith.constant 0 : index
    %get3A_6 = vector.load %arg8[%get3A_4, %get3A_5] : memref<2x64xf32, #tpu.memory_space<vmem>>, vector<1x64xf32>
    %div3A_7 = arith.constant 8.000000e+05 : f32
    %div3A_8 = vector.broadcast %div3A_7 : f32 to vector<1x64xf32>
    %div3A_9 = arith.divf %get3A_6, %div3A_8 : vector<1x64xf32>
    %mul3A = arith.mulf %div3A_3, %div3A_3 : vector<1x64xf32>
    %sub3A = arith.subf %div3A_9, %mul3A : vector<1x64xf32>
    %add3A = arith.constant 9.99999974E-6 : f32
    %add3A_10 = vector.broadcast %add3A : f32 to vector<1x64xf32>
    %add3A_11 = arith.addf %sub3A, %add3A_10 : vector<1x64xf32>
    %rsqrt3A = math.rsqrt %add3A_11 : vector<1x64xf32>
    %get3A_12 = arith.constant 0 : index
    %get3A_13 = arith.constant 0 : index
    %get3A_14 = vector.load %arg9[%get3A_12, %get3A_13] : memref<1x64xf32, #tpu.memory_space<vmem>>, vector<1x64xf32>
    %mul3A_15 = arith.mulf %rsqrt3A, %get3A_14 : vector<1x64xf32>
    %get3A_16 = arith.constant 0 : index
    %get3A_17 = arith.constant 0 : index
    %get3A_18 = vector.load %arg10[%get3A_16, %get3A_17] : memref<1x64xf32, #tpu.memory_space<vmem>>, vector<1x64xf32>
    %mul3A_19 = arith.mulf %div3A_3, %mul3A_15 : vector<1x64xf32>
    %sub3A_20 = arith.subf %get3A_18, %mul3A_19 : vector<1x64xf32>
    %slice3A = vector.extract_strided_slice %mul3A_15 {offsets = [0, 0], sizes = [1, 32], strides = [1, 1]} : vector<1x64xf32> to vector<1x32xf32>
    %slice3A_21 = vector.extract_strided_slice %mul3A_15 {offsets = [0, 32], sizes = [1, 32], strides = [1, 1]} : vector<1x64xf32> to vector<1x32xf32>
    %concatenate3A = tpu.concatenate %slice3A, %slice3A, %slice3A, %slice3A, %slice3A_21, %slice3A_21, %slice3A_21, %slice3A_21 in 1 : vector<1x32xf32>, vector<1x32xf32>, vector<1x32xf32>, vector<1x32xf32>, vector<1x32xf32>, vector<1x32xf32>, vector<1x32xf32>, vector<1x32xf32> -> vector<1x256xf32>
    %slice3A_22 = vector.extract_strided_slice %sub3A_20 {offsets = [0, 0], sizes = [1, 32], strides = [1, 1]} : vector<1x64xf32> to vector<1x32xf32>
    %slice3A_23 = vector.extract_strided_slice %sub3A_20 {offsets = [0, 32], sizes = [1, 32], strides = [1, 1]} : vector<1x64xf32> to vector<1x32xf32>
    %concatenate3A_24 = tpu.concatenate %slice3A_22, %slice3A_22, %slice3A_22, %slice3A_22, %slice3A_23, %slice3A_23, %slice3A_23, %slice3A_23 in 1 : vector<1x32xf32>, vector<1x32xf32>, vector<1x32xf32>, vector<1x32xf32>, vector<1x32xf32>, vector<1x32xf32>, vector<1x32xf32>, vector<1x32xf32> -> vector<1x256xf32>
    %get3A_25 = arith.constant 0 : index
    %get3A_26 = arith.constant 0 : index
    %get3A_27 = vector.load %arg1[%get3A_25, %get3A_26] : memref<1024x32xf32, #tpu.memory_space<vmem>>, vector<1024x32xf32>
    %get3A_28 = arith.constant 0 : index
    %get3A_29 = arith.constant 0 : index
    %get3A_30 = vector.load %arg2[%get3A_28, %get3A_29] : memref<4096x128xf32, #tpu.memory_space<vmem>>, vector<4096x128xf32>
    %get3A_31 = arith.constant 0 : index
    %get3A_32 = arith.constant 0 : index
    %get3A_33 = vector.load %arg3[%get3A_31, %get3A_32] : memref<16x4096xf32, #tpu.memory_space<vmem>>, vector<16x4096xf32>
    %get3A_34 = arith.constant 0 : index
    %get3A_35 = arith.constant 0 : index
    %get3A_36 = vector.load %arg4[%get3A_34, %get3A_35] : memref<32x256xf32, #tpu.memory_space<vmem>>, vector<32x256xf32>
    %get3A_37 = arith.constant 0 : index
    %get3A_38 = arith.constant 0 : index
    %get3A_39 = vector.load %arg5[%get3A_37, %get3A_38] : memref<128x256xf32, #tpu.memory_space<vmem>>, vector<128x256xf32>
    %get3A_40 = arith.constant 0 : index
    %get3A_41 = arith.constant 0 : index
    %get3A_42 = vector.load %arg6[%get3A_40, %get3A_41] : memref<16x256xf32, #tpu.memory_space<vmem>>, vector<16x256xf32>
    %get3A_43 = arith.constant 0 : index
    %get3A_44 = arith.constant 0 : index
    %get3A_45 = vector.load %arg7[%get3A_43, %get3A_44] : memref<1x256xf32, #tpu.memory_space<vmem>>, vector<1x256xf32>
    %dot_general3A = arith.constant dense<0.000000e+00> : vector<1024x256xf32>
    %dot_general3A_46 = tpu.matmul %get3A_27, %get3A_36, %dot_general3A {dimension_numbers = #tpu.dot_dimension_numbers<[1], [0], [0], [1], [0, 0, 1, 1], [], []>, transpose_lhs_hint = false} : vector<1024x32xf32>, vector<32x256xf32>, vector<1024x256xf32> -> vector<1024x256xf32>
    %broadcast_in_dim3A = vector.shape_cast %dot_general3A_46 : vector<1024x256xf32> to vector<1024x1x256xf32>
    %broadcast_in_dim3A_47 = vector.shape_cast %broadcast_in_dim3A : vector<1024x1x256xf32> to vector<1024x1x256xf32>
    %broadcast_in_dim3A_48 = vector.broadcast %broadcast_in_dim3A_47 : vector<1024x1x256xf32> to vector<1024x4x256xf32>
    %reshape3A = vector.shape_cast %broadcast_in_dim3A_48 : vector<1024x4x256xf32> to vector<4096x256xf32>
    %dot_general3A_49 = arith.constant dense<0.000000e+00> : vector<4096x256xf32>
    %dot_general3A_50 = tpu.matmul %get3A_33, %get3A_42, %dot_general3A_49 {dimension_numbers = #tpu.dot_dimension_numbers<[0], [0], [1], [1], [0, 1, 1, 1], [], []>, transpose_lhs_hint = false} : vector<16x4096xf32>, vector<16x256xf32>, vector<4096x256xf32> -> vector<4096x256xf32>
    %dot_general3A_51 = arith.constant dense<0.000000e+00> : vector<4096x256xf32>
    %dot_general3A_52 = tpu.matmul %get3A_30, %get3A_39, %dot_general3A_51 {dimension_numbers = #tpu.dot_dimension_numbers<[1], [0], [0], [1], [0, 0, 1, 1], [], []>, transpose_lhs_hint = false} : vector<4096x128xf32>, vector<128x256xf32>, vector<4096x256xf32> -> vector<4096x256xf32>
    %add3A_53 = arith.addf %dot_general3A_52, %dot_general3A_50 : vector<4096x256xf32>
    %add3A_54 = vector.broadcast %get3A_45 : vector<1x256xf32> to vector<4096x256xf32>
    %add3A_55 = arith.addf %add3A_53, %add3A_54 : vector<4096x256xf32>
    %add3A_56 = arith.addf %reshape3A, %add3A_55 : vector<4096x256xf32>
    %mul3A_57 = vector.broadcast %concatenate3A : vector<1x256xf32> to vector<4096x256xf32>
    %mul3A_58 = arith.mulf %add3A_56, %mul3A_57 : vector<4096x256xf32>
    %add3A_59 = vector.broadcast %concatenate3A_24 : vector<1x256xf32> to vector<4096x256xf32>
    %add3A_60 = arith.addf %mul3A_58, %add3A_59 : vector<4096x256xf32>
    %slice3A_61 = vector.extract_strided_slice %add3A_60 {offsets = [0, 0], sizes = [4096, 128], strides = [1, 1]} : vector<4096x256xf32> to vector<4096x128xf32>
    %logistic3A = arith.negf %slice3A_61 : vector<4096x128xf32>
    %logistic3A_62 = math.exp %logistic3A : vector<4096x128xf32>
    %logistic3A_63 = arith.constant 1.000000e+00 : f32
    %logistic3A_64 = vector.broadcast %logistic3A_63 : f32 to vector<4096x128xf32>
    %logistic3A_65 = arith.addf %logistic3A_64, %logistic3A_62 : vector<4096x128xf32>
    %logistic3A_66 = arith.divf %logistic3A_64, %logistic3A_65 : vector<4096x128xf32>
    %slice3A_67 = vector.extract_strided_slice %add3A_60 {offsets = [0, 128], sizes = [4096, 128], strides = [1, 1]} : vector<4096x256xf32> to vector<4096x128xf32>
    %ge3A = arith.constant 0.000000e+00 : f32
    %ge3A_68 = vector.broadcast %ge3A : f32 to vector<4096x128xf32>
    %ge3A_69 = arith.cmpf oge, %slice3A_67, %ge3A_68 : vector<4096x128xf32>
    %mul3A_70 = arith.constant 0.00999999977 : f32
    %mul3A_71 = vector.broadcast %mul3A_70 : f32 to vector<4096x128xf32>
    %mul3A_72 = arith.mulf %mul3A_71, %slice3A_67 : vector<4096x128xf32>
    %select_n3A = arith.select %ge3A_69, %slice3A_67, %mul3A_72 : vector<4096x128xi1>, vector<4096x128xf32>
    %mul3A_73 = arith.mulf %logistic3A_66, %select_n3A : vector<4096x128xf32>
    %reshape3A_74 = vector.shape_cast %mul3A_73 : vector<4096x128xf32> to vector<1024x4x128xf32>
    %reduce_sum3A = arith.constant dense<0.000000e+00> : vector<1024x128xf32>
    %reduce_sum3A_75 = vector.multi_reduction <add>, %reshape3A_74, %reduce_sum3A [1] : vector<1024x4x128xf32> to vector<1024x128xf32>
    %slice3A_76 = vector.extract_strided_slice %reduce_sum3A_75 {offsets = [0, 0], sizes = [1024, 32], strides = [1, 1]} : vector<1024x128xf32> to vector<1024x32xf32>
    %slice3A_77 = vector.extract_strided_slice %reduce_sum3A_75 {offsets = [0, 32], sizes = [1024, 32], strides = [1, 1]} : vector<1024x128xf32> to vector<1024x32xf32>
    %add3A_78 = arith.addf %slice3A_76, %slice3A_77 : vector<1024x32xf32>
    %slice3A_79 = vector.extract_strided_slice %reduce_sum3A_75 {offsets = [0, 64], sizes = [1024, 32], strides = [1, 1]} : vector<1024x128xf32> to vector<1024x32xf32>
    %add3A_80 = arith.addf %add3A_78, %slice3A_79 : vector<1024x32xf32>
    %slice3A_81 = vector.extract_strided_slice %reduce_sum3A_75 {offsets = [0, 96], sizes = [1024, 32], strides = [1, 1]} : vector<1024x128xf32> to vector<1024x32xf32>
    %add3A_82 = arith.addf %add3A_80, %slice3A_81 : vector<1024x32xf32>
    %swap3A = arith.constant 0 : index
    %swap3A_83 = arith.constant 0 : index
    %swap3A_84 = vector.load %arg11[%swap3A, %swap3A_83] : memref<1024x32xf32, #tpu.memory_space<vmem>>, vector<1024x32xf32>
    tpu.vector_store %arg11[%swap3A, %swap3A_83], %add3A_82 {strides = array<i32>} : memref<1024x32xf32, #tpu.memory_space<vmem>>, vector<1024x32xf32>,
    %eq3A = arith.constant 0 : i32
    %eq3A_85 = arith.cmpi eq, %arg0, %eq3A : i32
    %convert_element_type3A = arith.extui %eq3A_85 : i1 to i32
    %cond3A = arith.constant 0 : i32
    %cond3A_86 = arith.cmpi ne, %convert_element_type3A, %cond3A : i32
    scf.if %cond3A_86 {
      %broadcast_in_dim3A_96 = arith.constant 0.000000e+00 : f32
      %broadcast_in_dim3A_97 = vector.broadcast %broadcast_in_dim3A_96 : f32 to vector<2x32xf32>
      %swap3A_98 = arith.constant 0 : index
      %swap3A_99 = arith.constant 0 : index
      %swap3A_100 = vector.load %arg12[%swap3A_98, %swap3A_99] : memref<2x32xf32, #tpu.memory_space<vmem>>, vector<2x32xf32>
      tpu.vector_store %arg12[%swap3A_98, %swap3A_99], %broadcast_in_dim3A_97 {strides = array<i32>} : memref<2x32xf32, #tpu.memory_space<vmem>>, vector<2x32xf32>,
    } else {
    }
    %eq3A_87 = arith.constant 48 : i32
    %eq3A_88 = arith.cmpi eq, %arg0, %eq3A_87 : i32
    %convert_element_type3A_89 = arith.extui %eq3A_88 : i1 to i32
    %cond3A_90 = arith.constant 0 : i32
    %cond3A_91 = arith.cmpi ne, %convert_element_type3A_89, %cond3A_90 : i32
    scf.if %cond3A_91 {
      %iota3A = tpu.iota {dimensions = array<i32: 0>} : vector<1024x1xi32>
      %lt3A_96 = arith.constant 848 : i32
      %lt3A_97 = vector.broadcast %lt3A_96 : i32 to vector<1024x1xi32>
      %lt3A_98 = arith.cmpi slt, %iota3A, %lt3A_97 : vector<1024x1xi32>
      %jit3A = arith.constant 0.000000e+00 : f32
      %broadcast_in_dim3A_99 = vector.shape_cast %lt3A_98 : vector<1024x1xi1> to vector<1024x1xi1>
      %broadcast_in_dim3A_100 = vector.broadcast %broadcast_in_dim3A_99 : vector<1024x1xi1> to vector<1024x32xi1>
      %broadcast_in_dim3A_101 = vector.broadcast %jit3A : f32 to vector<1024x32xf32>
      %select_n3A_102 = arith.select %broadcast_in_dim3A_100, %add3A_82, %broadcast_in_dim3A_101 : vector<1024x32xi1>, vector<1024x32xf32>
      %get3A_103 = arith.constant 0 : index
      %get3A_104 = arith.constant 0 : index
      %get3A_105 = vector.load %arg12[%get3A_103, %get3A_104] : memref<2x32xf32, #tpu.memory_space<vmem>>, vector<2x32xf32>
      %reduce_sum3A_106 = arith.constant dense<0.000000e+00> : vector<32xf32>
      %reduce_sum3A_107 = vector.multi_reduction <add>, %select_n3A_102, %reduce_sum3A_106 [0] : vector<1024x32xf32> to vector<32xf32>
      %broadcast_in_dim3A_108 = vector.shape_cast %reduce_sum3A_107 : vector<32xf32> to vector<1x32xf32>
      %mul3A_109 = arith.mulf %select_n3A_102, %select_n3A_102 : vector<1024x32xf32>
      %reduce_sum3A_110 = arith.constant dense<0.000000e+00> : vector<32xf32>
      %reduce_sum3A_111 = vector.multi_reduction <add>, %mul3A_109, %reduce_sum3A_110 [0] : vector<1024x32xf32> to vector<32xf32>
      %broadcast_in_dim3A_112 = vector.shape_cast %reduce_sum3A_111 : vector<32xf32> to vector<1x32xf32>
      %concatenate3A_113 = tpu.concatenate %broadcast_in_dim3A_108, %broadcast_in_dim3A_112 in 0 : vector<1x32xf32>, vector<1x32xf32> -> vector<2x32xf32>
      %add3A_114 = arith.addf %get3A_105, %concatenate3A_113 : vector<2x32xf32>
      %swap3A_115 = arith.constant 0 : index
      %swap3A_116 = arith.constant 0 : index
      %swap3A_117 = vector.load %arg12[%swap3A_115, %swap3A_116] : memref<2x32xf32, #tpu.memory_space<vmem>>, vector<2x32xf32>
      tpu.vector_store %arg12[%swap3A_115, %swap3A_116], %add3A_114 {strides = array<i32>} : memref<2x32xf32, #tpu.memory_space<vmem>>, vector<2x32xf32>,
    } else {
    }
    %lt3A = arith.constant 48 : i32
    %lt3A_92 = arith.cmpi slt, %arg0, %lt3A : i32
    %convert_element_type3A_93 = arith.extui %lt3A_92 : i1 to i32
    %cond3A_94 = arith.constant 0 : i32
    %cond3A_95 = arith.cmpi ne, %convert_element_type3A_93, %cond3A_94 : i32
    scf.if %cond3A_95 {
      %get3A_96 = arith.constant 0 : index
      %get3A_97 = arith.constant 0 : index
      %get3A_98 = vector.load %arg12[%get3A_96, %get3A_97] : memref<2x32xf32, #tpu.memory_space<vmem>>, vector<2x32xf32>
      %reduce_sum3A_99 = arith.constant dense<0.000000e+00> : vector<32xf32>
      %reduce_sum3A_100 = vector.multi_reduction <add>, %add3A_82, %reduce_sum3A_99 [0] : vector<1024x32xf32> to vector<32xf32>
      %broadcast_in_dim3A_101 = vector.shape_cast %reduce_sum3A_100 : vector<32xf32> to vector<1x32xf32>
      %mul3A_102 = arith.mulf %add3A_82, %add3A_82 : vector<1024x32xf32>
      %reduce_sum3A_103 = arith.constant dense<0.000000e+00> : vector<32xf32>
      %reduce_sum3A_104 = vector.multi_reduction <add>, %mul3A_102, %reduce_sum3A_103 [0] : vector<1024x32xf32> to vector<32xf32>
      %broadcast_in_dim3A_105 = vector.shape_cast %reduce_sum3A_104 : vector<32xf32> to vector<1x32xf32>
      %concatenate3A_106 = tpu.concatenate %broadcast_in_dim3A_101, %broadcast_in_dim3A_105 in 0 : vector<1x32xf32>, vector<1x32xf32> -> vector<2x32xf32>
      %add3A_107 = arith.addf %get3A_98, %concatenate3A_106 : vector<2x32xf32>
      %swap3A_108 = arith.constant 0 : index
      %swap3A_109 = arith.constant 0 : index
      %swap3A_110 = vector.load %arg12[%swap3A_108, %swap3A_109] : memref<2x32xf32, #tpu.memory_space<vmem>>, vector<2x32xf32>
      tpu.vector_store %arg12[%swap3A_108, %swap3A_109], %add3A_107 {strides = array<i32>} : memref<2x32xf32, #tpu.memory_space<vmem>>, vector<2x32xf32>,
    } else {
    }
    return
  }
  func.func @transform_0(%arg0: i32) -> (i32, i32) {
    %c0_i32 = arith.constant 0 : i32
    %c0_i32_0 = arith.constant 0 : i32
    return %arg0, %c0_i32 : i32, i32
  }
  func.func @transform_1(%arg0: i32) -> (i32, i32) {
    %c0_i32 = arith.constant 0 : i32
    %c0_i32_0 = arith.constant 0 : i32
    return %arg0, %c0_i32 : i32, i32
  }
  func.func @transform_2(%arg0: i32) -> (i32, i32) {
    %c0_i32 = arith.constant 0 : i32
    %c0_i32_0 = arith.constant 0 : i32
    return %c0_i32, %arg0 : i32, i32
  }
  func.func @transform_3(%arg0: i32) -> (i32, i32) {
    %c0_i32 = arith.constant 0 : i32
    %c0_i32_0 = arith.constant 0 : i32
    %c0_i32_1 = arith.constant 0 : i32
    return %c0_i32, %c0_i32_0 : i32, i32
  }
  func.func @transform_4(%arg0: i32) -> (i32, i32) {
    %c0_i32 = arith.constant 0 : i32
    %c0_i32_0 = arith.constant 0 : i32
    %c0_i32_1 = arith.constant 0 : i32
    return %c0_i32, %c0_i32_0 : i32, i32
  }
  func.func @transform_5(%arg0: i32) -> (i32, i32) {
    %c0_i32 = arith.constant 0 : i32
    %c0_i32_0 = arith.constant 0 : i32
    %c0_i32_1 = arith.constant 0 : i32
    return %c0_i32, %c0_i32_0 : i32, i32
  }
  func.func @transform_6(%arg0: i32) -> (i32, i32) {
    %c0_i32 = arith.constant 0 : i32
    %c0_i32_0 = arith.constant 0 : i32
    %c0_i32_1 = arith.constant 0 : i32
    return %c0_i32, %c0_i32_0 : i32, i32
  }
  func.func @transform_7(%arg0: i32) -> (i32, i32) {
    %c0_i32 = arith.constant 0 : i32
    %c0_i32_0 = arith.constant 0 : i32
    %c0_i32_1 = arith.constant 0 : i32
    return %c0_i32, %c0_i32_0 : i32, i32
  }
  func.func @transform_8(%arg0: i32) -> (i32, i32) {
    %c0_i32 = arith.constant 0 : i32
    %c0_i32_0 = arith.constant 0 : i32
    %c0_i32_1 = arith.constant 0 : i32
    return %c0_i32, %c0_i32_0 : i32, i32
  }
  func.func @transform_9(%arg0: i32) -> (i32, i32) {
    %c0_i32 = arith.constant 0 : i32
    %c0_i32_0 = arith.constant 0 : i32
    %c0_i32_1 = arith.constant 0 : i32
    return %c0_i32, %c0_i32_0 : i32, i32
  }
  func.func @transform_10(%arg0: i32) -> (i32, i32) {
    %c0_i32 = arith.constant 0 : i32
    %c0_i32_0 = arith.constant 0 : i32
    return %arg0, %c0_i32 : i32, i32
  }
  func.func @transform_11(%arg0: i32) -> (i32, i32) {
    %c0_i32 = arith.constant 0 : i32
    %c0_i32_0 = arith.constant 0 : i32
    %c0_i32_1 = arith.constant 0 : i32
    return %c0_i32, %c0_i32_0 : i32, i32
  }
}

module attributes {stable_mosaic.version = 14 : i64} {
  func.func @body(%arg0: i32, %arg1: memref<1024x32xf32, #tpu.memory_space<vmem>>, %arg2: memref<1024x32xf32, #tpu.memory_space<vmem>>, %arg3: memref<2x32xf32, #tpu.memory_space<vmem>>, %arg4: memref<1x32xf32, #tpu.memory_space<vmem>>, %arg5: memref<1x32xf32, #tpu.memory_space<vmem>>, %arg6: memref<1024x32xf32, #tpu.memory_space<vmem>>) attributes {dimension_semantics = [#tpu.dimension_semantics<arbitrary>], iteration_bounds = array<i64: 49>, scalar_prefetch = 0 : i64, scratch_operands = 0 : i64, tpu.core_type = #tpu.core_type<tc>, window_params = [{transform_indices = @transform_0, window_bounds = array<i64: 1024, 32>}, {transform_indices = @transform_1, window_bounds = array<i64: 1024, 32>}, {pipeline_mode = #tpu.pipeline_mode<synchronous>, transform_indices = @transform_2, window_bounds = array<i64: 2, 32>}, {pipeline_mode = #tpu.pipeline_mode<synchronous>, transform_indices = @transform_3, window_bounds = array<i64: 1, 32>}, {pipeline_mode = #tpu.pipeline_mode<synchronous>, transform_indices = @transform_4, window_bounds = array<i64: 1, 32>}, {transform_indices = @transform_5, window_bounds = array<i64: 1024, 32>}]} {
    %get3A = arith.constant 0 : index
    %get3A_0 = arith.constant 0 : index
    %get3A_1 = vector.load %arg3[%get3A, %get3A_0] : memref<2x32xf32, #tpu.memory_space<vmem>>, vector<1x32xf32>
    %div3A = arith.constant 5.000000e+04 : f32
    %div3A_2 = vector.broadcast %div3A : f32 to vector<1x32xf32>
    %div3A_3 = arith.divf %get3A_1, %div3A_2 : vector<1x32xf32>
    %get3A_4 = arith.constant 1 : index
    %get3A_5 = arith.constant 0 : index
    %get3A_6 = vector.load %arg3[%get3A_4, %get3A_5] : memref<2x32xf32, #tpu.memory_space<vmem>>, vector<1x32xf32>
    %div3A_7 = arith.constant 5.000000e+04 : f32
    %div3A_8 = vector.broadcast %div3A_7 : f32 to vector<1x32xf32>
    %div3A_9 = arith.divf %get3A_6, %div3A_8 : vector<1x32xf32>
    %mul3A = arith.mulf %div3A_3, %div3A_3 : vector<1x32xf32>
    %sub3A = arith.subf %div3A_9, %mul3A : vector<1x32xf32>
    %add3A = arith.constant 9.99999974E-6 : f32
    %add3A_10 = vector.broadcast %add3A : f32 to vector<1x32xf32>
    %add3A_11 = arith.addf %sub3A, %add3A_10 : vector<1x32xf32>
    %rsqrt3A = math.rsqrt %add3A_11 : vector<1x32xf32>
    %get3A_12 = arith.constant 0 : index
    %get3A_13 = arith.constant 0 : index
    %get3A_14 = vector.load %arg2[%get3A_12, %get3A_13] : memref<1024x32xf32, #tpu.memory_space<vmem>>, vector<1024x32xf32>
    %sub3A_15 = vector.broadcast %div3A_3 : vector<1x32xf32> to vector<1024x32xf32>
    %sub3A_16 = arith.subf %get3A_14, %sub3A_15 : vector<1024x32xf32>
    %mul3A_17 = vector.broadcast %rsqrt3A : vector<1x32xf32> to vector<1024x32xf32>
    %mul3A_18 = arith.mulf %sub3A_16, %mul3A_17 : vector<1024x32xf32>
    %get3A_19 = arith.constant 0 : index
    %get3A_20 = arith.constant 0 : index
    %get3A_21 = vector.load %arg4[%get3A_19, %get3A_20] : memref<1x32xf32, #tpu.memory_space<vmem>>, vector<1x32xf32>
    %mul3A_22 = vector.broadcast %get3A_21 : vector<1x32xf32> to vector<1024x32xf32>
    %mul3A_23 = arith.mulf %mul3A_18, %mul3A_22 : vector<1024x32xf32>
    %get3A_24 = arith.constant 0 : index
    %get3A_25 = arith.constant 0 : index
    %get3A_26 = vector.load %arg5[%get3A_24, %get3A_25] : memref<1x32xf32, #tpu.memory_space<vmem>>, vector<1x32xf32>
    %add3A_27 = vector.broadcast %get3A_26 : vector<1x32xf32> to vector<1024x32xf32>
    %add3A_28 = arith.addf %mul3A_23, %add3A_27 : vector<1024x32xf32>
    %get3A_29 = arith.constant 0 : index
    %get3A_30 = arith.constant 0 : index
    %get3A_31 = vector.load %arg1[%get3A_29, %get3A_30] : memref<1024x32xf32, #tpu.memory_space<vmem>>, vector<1024x32xf32>
    %add3A_32 = arith.addf %get3A_31, %add3A_28 : vector<1024x32xf32>
    %ge3A = arith.constant 0.000000e+00 : f32
    %ge3A_33 = vector.broadcast %ge3A : f32 to vector<1024x32xf32>
    %ge3A_34 = arith.cmpf oge, %add3A_32, %ge3A_33 : vector<1024x32xf32>
    %mul3A_35 = arith.constant 0.00999999977 : f32
    %mul3A_36 = vector.broadcast %mul3A_35 : f32 to vector<1024x32xf32>
    %mul3A_37 = arith.mulf %mul3A_36, %add3A_32 : vector<1024x32xf32>
    %select_n3A = arith.select %ge3A_34, %add3A_32, %mul3A_37 : vector<1024x32xi1>, vector<1024x32xf32>
    %swap3A = arith.constant 0 : index
    %swap3A_38 = arith.constant 0 : index
    %swap3A_39 = vector.load %arg6[%swap3A, %swap3A_38] : memref<1024x32xf32, #tpu.memory_space<vmem>>, vector<1024x32xf32>
    tpu.vector_store %arg6[%swap3A, %swap3A_38], %select_n3A {strides = array<i32>} : memref<1024x32xf32, #tpu.memory_space<vmem>>, vector<1024x32xf32>,
    return
  }
  func.func @transform_0(%arg0: i32) -> (i32, i32) {
    %c0_i32 = arith.constant 0 : i32
    %c0_i32_0 = arith.constant 0 : i32
    return %arg0, %c0_i32 : i32, i32
  }
  func.func @transform_1(%arg0: i32) -> (i32, i32) {
    %c0_i32 = arith.constant 0 : i32
    %c0_i32_0 = arith.constant 0 : i32
    return %arg0, %c0_i32 : i32, i32
  }
  func.func @transform_2(%arg0: i32) -> (i32, i32) {
    %c0_i32 = arith.constant 0 : i32
    %c0_i32_0 = arith.constant 0 : i32
    %c0_i32_1 = arith.constant 0 : i32
    return %c0_i32, %c0_i32_0 : i32, i32
  }
  func.func @transform_3(%arg0: i32) -> (i32, i32) {
    %c0_i32 = arith.constant 0 : i32
    %c0_i32_0 = arith.constant 0 : i32
    %c0_i32_1 = arith.constant 0 : i32
    return %c0_i32, %c0_i32_0 : i32, i32
  }
  func.func @transform_4(%arg0: i32) -> (i32, i32) {
    %c0_i32 = arith.constant 0 : i32
    %c0_i32_0 = arith.constant 0 : i32
    %c0_i32_1 = arith.constant 0 : i32
    return %c0_i32, %c0_i32_0 : i32, i32
  }
  func.func @transform_5(%arg0: i32) -> (i32, i32) {
    %c0_i32 = arith.constant 0 : i32
    %c0_i32_0 = arith.constant 0 : i32
    return %arg0, %c0_i32 : i32, i32
  }
}

module attributes {stable_mosaic.version = 14 : i64} {
  func.func @body(%arg0: i32, %arg1: memref<1024x32xf32, #tpu.memory_space<vmem>>, %arg2: memref<1024x1xf32, #tpu.memory_space<vmem>>, %arg3: memref<32x128xf32, #tpu.memory_space<vmem>>, %arg4: memref<1x128xf32, #tpu.memory_space<vmem>>, %arg5: memref<128x1xf32, #tpu.memory_space<vmem>>, %arg6: memref<1x1xf32, #tpu.memory_space<vmem>>, %arg7: memref<1024x1xf32, #tpu.memory_space<vmem>>, %arg8: memref<1024x1xf32, #tpu.memory_space<vmem>>) attributes {dimension_semantics = [#tpu.dimension_semantics<arbitrary>], iteration_bounds = array<i64: 49>, scalar_prefetch = 0 : i64, scratch_operands = 0 : i64, tpu.core_type = #tpu.core_type<tc>, window_params = [{transform_indices = @transform_0, window_bounds = array<i64: 1024, 32>}, {transform_indices = @transform_1, window_bounds = array<i64: 1024, 1>}, {pipeline_mode = #tpu.pipeline_mode<synchronous>, transform_indices = @transform_2, window_bounds = array<i64: 32, 128>}, {pipeline_mode = #tpu.pipeline_mode<synchronous>, transform_indices = @transform_3, window_bounds = array<i64: 1, 128>}, {pipeline_mode = #tpu.pipeline_mode<synchronous>, transform_indices = @transform_4, window_bounds = array<i64: 128, 1>}, {pipeline_mode = #tpu.pipeline_mode<synchronous>, transform_indices = @transform_5, window_bounds = array<i64: 1, 1>}, {transform_indices = @transform_6, window_bounds = array<i64: 1024, 1>}, {transform_indices = @transform_7, window_bounds = array<i64: 1024, 1>}]} {
    %get3A = arith.constant 0 : index
    %get3A_0 = arith.constant 0 : index
    %get3A_1 = vector.load %arg1[%get3A, %get3A_0] : memref<1024x32xf32, #tpu.memory_space<vmem>>, vector<1024x32xf32>
    %get3A_2 = arith.constant 0 : index
    %get3A_3 = arith.constant 0 : index
    %get3A_4 = vector.load %arg3[%get3A_2, %get3A_3] : memref<32x128xf32, #tpu.memory_space<vmem>>, vector<32x128xf32>
    %dot_general3A = arith.constant dense<0.000000e+00> : vector<1024x128xf32>
    %dot_general3A_5 = tpu.matmul %get3A_1, %get3A_4, %dot_general3A {dimension_numbers = #tpu.dot_dimension_numbers<[1], [0], [0], [1], [0, 0, 1, 1], [], []>, transpose_lhs_hint = false} : vector<1024x32xf32>, vector<32x128xf32>, vector<1024x128xf32> -> vector<1024x128xf32>
    %get3A_6 = arith.constant 0 : index
    %get3A_7 = arith.constant 0 : index
    %get3A_8 = vector.load %arg4[%get3A_6, %get3A_7] : memref<1x128xf32, #tpu.memory_space<vmem>>, vector<1x128xf32>
    %add3A = vector.broadcast %get3A_8 : vector<1x128xf32> to vector<1024x128xf32>
    %add3A_9 = arith.addf %dot_general3A_5, %add3A : vector<1024x128xf32>
    %get3A_10 = arith.constant 0 : index
    %get3A_11 = arith.constant 0 : index
    %get3A_12 = vector.load %arg5[%get3A_10, %get3A_11] : memref<128x1xf32, #tpu.memory_space<vmem>>, vector<128x1xf32>
    %dot_general3A_13 = arith.constant dense<0.000000e+00> : vector<1024x1xf32>
    %dot_general3A_14 = tpu.matmul %add3A_9, %get3A_12, %dot_general3A_13 {dimension_numbers = #tpu.dot_dimension_numbers<[1], [0], [0], [1], [0, 0, 1, 1], [], []>, transpose_lhs_hint = false} : vector<1024x128xf32>, vector<128x1xf32>, vector<1024x1xf32> -> vector<1024x1xf32>
    %get3A_15 = arith.constant 0 : index
    %get3A_16 = arith.constant 0 : index
    %get3A_17 = vector.load %arg6[%get3A_15, %get3A_16] : memref<1x1xf32, #tpu.memory_space<vmem>>, vector<1x1xf32>
    %add3A_18 = vector.broadcast %get3A_17 : vector<1x1xf32> to vector<1024x1xf32>
    %add3A_19 = arith.addf %dot_general3A_14, %add3A_18 : vector<1024x1xf32>
    %swap3A = arith.constant 0 : index
    %swap3A_20 = arith.constant 0 : index
    %swap3A_21 = vector.load %arg7[%swap3A, %swap3A_20] : memref<1024x1xf32, #tpu.memory_space<vmem>>, vector<1024x1xf32>
    tpu.vector_store %arg7[%swap3A, %swap3A_20], %add3A_19 {strides = array<i32>} : memref<1024x1xf32, #tpu.memory_space<vmem>>, vector<1024x1xf32>,
    %get3A_22 = arith.constant 0 : index
    %get3A_23 = arith.constant 0 : index
    %get3A_24 = vector.load %arg2[%get3A_22, %get3A_23] : memref<1024x1xf32, #tpu.memory_space<vmem>>, vector<1024x1xf32>
    %mul3A = arith.mulf %add3A_19, %get3A_24 : vector<1024x1xf32>
    %swap3A_25 = arith.constant 0 : index
    %swap3A_26 = arith.constant 0 : index
    %swap3A_27 = vector.load %arg8[%swap3A_25, %swap3A_26] : memref<1024x1xf32, #tpu.memory_space<vmem>>, vector<1024x1xf32>
    tpu.vector_store %arg8[%swap3A_25, %swap3A_26], %mul3A {strides = array<i32>} : memref<1024x1xf32, #tpu.memory_space<vmem>>, vector<1024x1xf32>,
    return
  }
  func.func @transform_0(%arg0: i32) -> (i32, i32) {
    %c0_i32 = arith.constant 0 : i32
    %c0_i32_0 = arith.constant 0 : i32
    return %arg0, %c0_i32 : i32, i32
  }
  func.func @transform_1(%arg0: i32) -> (i32, i32) {
    %c0_i32 = arith.constant 0 : i32
    %c0_i32_0 = arith.constant 0 : i32
    return %arg0, %c0_i32 : i32, i32
  }
  func.func @transform_2(%arg0: i32) -> (i32, i32) {
    %c0_i32 = arith.constant 0 : i32
    %c0_i32_0 = arith.constant 0 : i32
    %c0_i32_1 = arith.constant 0 : i32
    return %c0_i32, %c0_i32_0 : i32, i32
  }
  func.func @transform_3(%arg0: i32) -> (i32, i32) {
    %c0_i32 = arith.constant 0 : i32
    %c0_i32_0 = arith.constant 0 : i32
    %c0_i32_1 = arith.constant 0 : i32
    return %c0_i32, %c0_i32_0 : i32, i32
  }
  func.func @transform_4(%arg0: i32) -> (i32, i32) {
    %c0_i32 = arith.constant 0 : i32
    %c0_i32_0 = arith.constant 0 : i32
    %c0_i32_1 = arith.constant 0 : i32
    return %c0_i32, %c0_i32_0 : i32, i32
  }
  func.func @transform_5(%arg0: i32) -> (i32, i32) {
    %c0_i32 = arith.constant 0 : i32
    %c0_i32_0 = arith.constant 0 : i32
    %c0_i32_1 = arith.constant 0 : i32
    return %c0_i32, %c0_i32_0 : i32, i32
  }
  func.func @transform_6(%arg0: i32) -> (i32, i32) {
    %c0_i32 = arith.constant 0 : i32
    %c0_i32_0 = arith.constant 0 : i32
    return %arg0, %c0_i32 : i32, i32
  }
  func.func @transform_7(%arg0: i32) -> (i32, i32) {
    %c0_i32 = arith.constant 0 : i32
    %c0_i32_0 = arith.constant 0 : i32
    return %arg0, %c0_i32 : i32, i32
  }
}

module attributes {stable_mosaic.version = 14 : i64} {
  func.func @body(%arg0: memref<1000x50xf32, #tpu.memory_space<vmem>>, %arg1: memref<1000x1xf32, #tpu.memory_space<vmem>>) attributes {dimension_semantics = [], scalar_prefetch = 0 : i64, scratch_operands = 0 : i64, tpu.core_type = #tpu.core_type<tc>} {
    %get3A = arith.constant 0 : index
    %get3A_0 = arith.constant 0 : index
    %get3A_1 = vector.load %arg0[%get3A, %get3A_0] : memref<1000x50xf32, #tpu.memory_space<vmem>>, vector<1000x50xf32>
    %reduce_sum3A = arith.constant dense<0.000000e+00> : vector<1000xf32>
    %reduce_sum3A_2 = vector.multi_reduction <add>, %get3A_1, %reduce_sum3A [1] : vector<1000x50xf32> to vector<1000xf32>
    %broadcast_in_dim3A = vector.shape_cast %reduce_sum3A_2 : vector<1000xf32> to vector<1000x1xf32>
    %ne3A = arith.constant 0.000000e+00 : f32
    %ne3A_3 = vector.broadcast %ne3A : f32 to vector<1000x50xf32>
    %ne3A_4 = arith.cmpf one, %get3A_1, %ne3A_3 : vector<1000x50xf32>
    %convert_element_type3A = arith.extui %ne3A_4 : vector<1000x50xi1> to vector<1000x50xi32>
    %convert_element_type3A_5 = arith.sitofp %convert_element_type3A : vector<1000x50xi32> to vector<1000x50xf32>
    %reduce_sum3A_6 = arith.constant dense<0.000000e+00> : vector<1000xf32>
    %reduce_sum3A_7 = vector.multi_reduction <add>, %convert_element_type3A_5, %reduce_sum3A_6 [1] : vector<1000x50xf32> to vector<1000xf32>
    %broadcast_in_dim3A_8 = vector.shape_cast %reduce_sum3A_7 : vector<1000xf32> to vector<1000x1xf32>
    %div3A = arith.divf %broadcast_in_dim3A, %broadcast_in_dim3A_8 : vector<1000x1xf32>
    %swap3A = arith.constant 0 : index
    %swap3A_9 = arith.constant 0 : index
    %swap3A_10 = vector.load %arg1[%swap3A, %swap3A_9] : memref<1000x1xf32, #tpu.memory_space<vmem>>, vector<1000x1xf32>
    tpu.vector_store %arg1[%swap3A, %swap3A_9], %div3A {strides = array<i32>} : memref<1000x1xf32, #tpu.memory_space<vmem>>, vector<1000x1xf32>,
    return
  }
}

</mosaic_0001>

<sc_bundles>
// kernel: kernel.17.cloned.1.call-start
scs
__scs_entry_jumppad:
0x0: {  	(pc) =	sbr.rel $0x88, $3  }
0x1: {  	(tag) =	ssettag $0x0;
	lr =	simm.s32 $0x1  }
0x2: {  	[smem:$0x3F85] =	sst lr;
	_ =	strace $0xD0000000  }
0x3: {  	_ = 	snop  }
0x4: {  	_ = 	snop  }
0x5: {  	_ = 	snop  }
0x6: {  	_ = 	snop  }
0x7: {  	_ = 	snop  }
__scs_overlays_trampoline_lowered:
0x8: {  	[smem:$0x3F94] =	sst s0  }
0x9: {  	[smem:$0x3F95] =	sst s1  }
0xa: {  	[smem:$0x3F96] =	sst s2  }
0xb: {  	[smem:$0x3F97] =	sst s3  }
0xc: {  	[smem:$0x3F98] =	sst s4  }
0xd: {  	[smem:$0x3F99] =	sst s5  }
0xe: {  	[smem:$0x3F9A] =	sst s6  }
0xf: {  	[smem:$0x3F9B] =	sst s7  }
0x10: {  	[smem:$0x3F9C] =	sst s8  }
0x11: {  	[smem:$0x3F9D] =	sst s9;
	s0 =	simm.s32 @!p0 $0x0  }
0x12: {  	s1 =	sld [smem:$0x3F83];
	s0 =	simm.s32 @p0 $0x1  }
0x13: {  	[smem:$0x3F9E] =	sst s0;
	s0 =	simm.s32 @!p1 $0x0  }
0x14: {  	s2 =	sld [smem:$0x3F82];
	s0 =	simm.s32 @p1 $0x1  }
0x15: {  	[smem:$0x3F9F] =	sst s0;
	s0 =	simm.s32 @!p2 $0x0  }
0x16: {  	s3 =	sld [smem:$0x3FDB];
	s0 =	simm.s32 @p2 $0x1  }
0x17: {  	s4 =	simm.s32 $0x1BF5;
	[smem:$0x3FA1] =	sst s0  }
0x18: {  	s0 =	sld [smem:$0x3F84];
	_ =	swait.ge [sflag:s4], $0x0  }
0x19: {  	s7 =	sld [smem:$0x3F85]  }
0x1a: {  	s8 =	sadd.s32 $0xFFFFE003, lr  }
0x1b: {  	s9 =	sadd.s32 $0xFFFFFEF7, lr;
	s5 =	simm.s32 $0xFFFFFFFF;
	p2 =	slt.u32 s8, $0xFFFFF086  }
0x1c: {  	p1 =	slt.u32 s9, $0xF7A;
	s5 =	simm.s32 @!p2 $0x0  }
0x1d: {  	s5 =	simm.s32 @p1 $0x1;
	p0 =	seq.s32 s7, s2  }
0x1e: {  	s7 =	smul.u32 @!p0 $0xF7A, s2;
	p2 =	seq.s32 @!p0 s5, $0x0  }
0x1f: {  	s9 =	smul.u32 $0xF7A, s1;
	s8 =	simm.s32 @!p0 $0x1BF5;
	p2 =	por !p2, p0  }
0x20: {  	[sflag:s8] =	ssyncset.s32 @!p0 $0xFFFFF086;
	s6 =	sadd.s32 @!p0 s3, s7;
	s7 =	simm.s32 @!p0 $0x108  }
0x21: {  	s3 =	sadd.s32 s3, s9;
	s6 =	sadd.s32 @!p0 $0x88, s6;
	s7 =	simm.s32 @p2 $0x1082  }
0x22: {  	[simem:s7], [sflag:s8] =	dma.local @!p0 [hbm:s6], $0xF7A  }
0x23: {  	s9 =	sor.u32 $0xD0000000, s2;
	s6 =	simm.s32 $0x108;
	_ =	swait.ge @!p0 [sflag:s8], $0x0  }
0x24: {  	s3 =	sadd.s32 $0x88, s3;
	s6 =	simm.s32 @!p1 $0x1082;
	[sflag:s4] =	ssyncset.s32 $0xFFFFF086  }
0x25: {  	[simem:s6], [sflag:s4] =	dma.local [hbm:s3], $0xF7A  }
0x26: {  	[smem:$0x3F85] =	sst s1;
	(tag) =	ssettag s2;
	_ =	strace s9  }
0x27: {  	s1 =	sld [smem:$0x3F95]  }
0x28: {  	s2 =	sld [smem:$0x3F96]  }
0x29: {  	s4 =	sld [smem:$0x3F98]  }
0x2a: {  	p0 =	seq.s32 s5, $0x0;
	s5 =	sld [smem:$0x3F99]  }
0x2b: {  	s6 =	sld [smem:$0x3F9A]  }
0x2c: {  	s7 =	sld [smem:$0x3F9B]  }
0x2d: {  	s3 =	simm.s32 $0x108;
	s8 =	sld [smem:$0x3F9C]  }
0x2e: {  	s3 =	simm.s32 @!p0 $0x1082;
	s9 =	sld [smem:$0x3F9D]  }
0x2f: {  	lr =	sadd.s32 s0, s3;
	s0 =	sld [smem:$0x3F94]  }
0x30: {  	s3 =	sld [smem:$0x3F97]  }
0x31: {  	[smem:$0x3FA0] =	sst s10  }
0x32: {  	s10 =	sld [smem:$0x3F9E];
	_ =	sdelay $0x3  }
0x33: {  	p0 =	seq.s32 s10, $0x1;
	s10 =	sld [smem:$0x3FA0];
	_ =	sdelay $0x3  }
0x34: {  	[smem:$0x3FA0] =	sst s10  }
0x35: {  	s10 =	sld [smem:$0x3F9F];
	_ =	sdelay $0x3  }
0x36: {  	p1 =	seq.s32 s10, $0x1;
	s10 =	sld [smem:$0x3FA0];
	_ =	sdelay $0x3  }
0x37: {  	[smem:$0x3FA0] =	sst s10  }
0x38: {  	s10 =	sld [smem:$0x3FA1]  }
0x39: {  	_ = 	snop;
	(pc) =	sbr.ind lr, $3  }
0x3a: {  	_ = 	snop  }
0x3b: {  	_ = 	snop  }
0x3c: {  	p2 =	seq.s32 s10, $0x1;
	s10 =	sld [smem:$0x3FA0]  }
0x3d: {  	_ =	shalt  }
0x3e: {  	_ =	shalt  }
0x3f: {  	_ =	shalt  }
0x40: {  	_ =	shalt  }
0x41: {  	_ =	shalt  }
0x42: {  	_ =	shalt  }
0x43: {  	_ =	shalt  }
0x44: {  	_ =	shalt  }
0x45: {  	_ =	shalt  }
0x46: {  	_ =	shalt  }
0x47: {  	_ =	shalt  }
0x48: {  	_ =	shalt  }
0x49: {  	_ =	shalt  }
0x4a: {  	_ =	shalt  }
0x4b: {  	_ =	shalt  }
0x4c: {  	_ =	shalt  }
0x4d: {  	_ =	shalt  }
0x4e: {  	_ =	shalt  }
0x4f: {  	_ =	shalt  }
0x50: {  	_ =	shalt  }
0x51: {  	_ =	shalt  }
0x52: {  	_ =	shalt  }
0x53: {  	_ =	shalt  }
0x54: {  	_ =	shalt  }
0x55: {  	_ =	shalt  }
0x56: {  	_ =	shalt  }
0x57: {  	_ =	shalt  }
0x58: {  	_ =	shalt  }
0x59: {  	_ =	shalt  }
0x5a: {  	_ =	shalt  }
0x5b: {  	_ =	shalt  }
0x5c: {  	_ =	shalt  }
0x5d: {  	_ =	shalt  }
0x5e: {  	_ =	shalt  }
0x5f: {  	_ =	shalt  }
0x60: {  	_ =	shalt  }
0x61: {  	_ =	shalt  }
0x62: {  	_ =	shalt  }
0x63: {  	_ =	shalt  }
0x64: {  	_ =	shalt  }
0x65: {  	_ =	shalt  }
0x66: {  	_ =	shalt  }
0x67: {  	_ =	shalt  }
0x68: {  	_ =	shalt  }
0x69: {  	_ =	shalt  }
0x6a: {  	_ =	shalt  }
0x6b: {  	_ =	shalt  }
0x6c: {  	_ =	shalt  }
0x6d: {  	_ =	shalt  }
0x6e: {  	_ =	shalt  }
0x6f: {  	_ =	shalt  }
0x70: {  	_ =	shalt  }
0x71: {  	_ =	shalt  }
0x72: {  	_ =	shalt  }
0x73: {  	_ =	shalt  }
0x74: {  	_ =	shalt  }
0x75: {  	_ =	shalt  }
0x76: {  	_ =	shalt  }
0x77: {  	_ =	shalt  }
0x78: {  	_ =	shalt  }
0x79: {  	_ =	shalt  }
0x7a: {  	_ =	shalt  }
0x7b: {  	_ =	shalt  }
0x7c: {  	_ =	shalt  }
0x7d: {  	_ =	shalt  }
0x7e: {  	_ =	shalt  }
0x7f: {  	_ =	shalt  }
0x80: {  	_ =	shalt  }
0x81: {  	_ =	shalt  }
0x82: {  	_ =	shalt  }
0x83: {  	_ =	shalt  }
0x84: {  	_ =	shalt  }
0x85: {  	_ =	shalt  }
0x86: {  	_ =	shalt  }
0x87: {  	_ =	shalt  }
.Lfunc_end0:
.L_simem_size_0:
called_computation_lowered:
.L_overlay_start_0:
0x88: {  	s2 =	sld [smem:$0x3FD9]  }
0x89: {  	s3 =	sld [smem:$0x3FFE];
	_ =	sdelay $0x1  }
0x8a: {  	s1 =	srdreg.scid  }
0x8b: {  	s0 =	sand.u32 $0x1, s1  }
0x8c: {  	s16 =	sshll.u32 s0, $0xA;
	s2 =	sadd.s32 s3, s2  }
0x8d: {  	s2 =	sadd.s32 s2, s16  }
0x8e: {  	[smem:$0x3FAC] =	sst s2  }
0x8f: {  	_ = 	snop  }
0x90: {  	(tm) =	ssettm $0x1  }
0x91: {  	s17 =	sld [smem:$0x3FFB];
	_ =	sdelay $0x3  }
0x92: {  	_ =	strace s17  }
0x93: {  	s2 =	sld [smem:$0x3FFC];
	_ =	sdelay $0x3  }
0x94: {  	_ =	strace s2  }
0x95: {  	s2 =	sld [smem:$0x3FFD];
	_ =	sdelay $0x3  }
0x96: {  	_ =	strace s2  }
0x97: {  	_ =	strace $0x8FFFFFFF  }
0x98: {  	s18 =	sld [smem:$0x3FDB];
	_ =	sdelay $0x1  }
0x99: {  	s19 =	simm.s32 $_scs_section_size  }
0x9a: {  	s4 =	simm.s32 $_size__tile_overlayer_lowered;
	s5 =	simm.s32 $_tile_overlayer_lowered  }
0x9b: {  	s22 =	simm.s32 $0x1BFF;
	s21 =	sshll.u32 s5, $0x1;
	s2 =	sadd.s32 s19, s18  }
0x9c: {  	s6 =	simm.s32 $0x0;
	s20 =	sshll.u32 s4, $0x1;
	s4 =	sadd.s32 s21, s2  }
0x9d: {  	[timem:s6], [sflag:s22] =	dma.local [hbm:s4], s20  }
0x9e: {  	_ =	swait.ge [sflag:s22], s20  }
0x9f: {  	s3 =	ssub.s32 $0x0, s20;
	[sflag:s22] =	ssyncset.done $0x0  }
0xa0: {  	[sflag:s22] =	ssyncadd.s32 s3;
	_ =	sdelay $0x1  }
0xa1: {  	s23 =	simm.s32 $0x1B8B  }
0xa2: {  	_ =	swait.ge [sflag:s23], $0x1  }
0xa3: {  	[sflag:s23] =	ssyncset.done $0x0  }
0xa4: {  	s25 =	simm.s32 $0x1B8E;
	s24 =	sld [smem:$0x3FFE];
	[sflag:s23] =	ssyncadd.s32 $0xFFFFFFFF  }
0xa5: {  	s26 =	simm.s32 $execute0_lowered;
	[smem:$0x3FD2] =	sst s25  }
0xa6: {  	s4 =	sshll.u32 s26, $0x1;
	_ =	strace $0x80000046;
	[dreg:$0x1] =	wrdreg $0xFFFFFFFF  }
0xa7: {  	s28 =	simm.s32 $_size_execute0_lowered;
	s2 =	sadd.s32 s2, s4;
	[dreg:$0x0] =	wrdreg $0x0  }
0xa8: {  	s4 =	sshll.u32 s28, $0x1;
	[dreg:$0x2] =	wrdreg s2  }
0xa9: {  	[dreg:$0x3] =	wrdreg s4  }
0xaa: {  	[dreg:$0x4] =	wrdreg $0xC0  }
0xab: {  	_ =	task [dreg:s6], $0x5FFFF  }
0xac: {  	[dreg:$0x1] =	wrdreg $0xFFFFFFFF  }
0xad: {  	[dreg:$0x0] =	wrdreg $0x60  }
0xae: {  	[dreg:$0x2] =	wrdreg s24  }
0xaf: {  	[dreg:$0x3] =	wrdreg $0x9  }
0xb0: {  	_ =	task.clear_ibuf [dreg:s6], $0x4FFFF;
	_ =	strace $0x90000046  }
0xb1: {  	s29 =	simm.s32 $0x9;
	_ =	strace $0x80000048  }
0xb2: {  	_ =	swait.ge [sflag:s29], $0x1  }
0xb3: {  	[sflag:s29] =	ssyncadd.s32 $0xFFFFFFFF  }
0xb4: {  	_ =	strace $0x90000048  }
0xb5: {  	_ =	sfence  }
0xb6: {  	s30 =	sld [smem:$0x0];
	_ =	sdelay $0x2  }
0xb7: {  	s31 =	sshll.u32 s1, $0xD;
	s1 =	sshrl.u32 s1, $0x2  }
0xb8: {  	s3 =	sand.u32 $0x4000, s31;
	s1 =	sadd.s32 s1, s30  }
0xb9: {  	s0 =	sor.u32 s3, s0;
	s1 =	sshll.u32 s1, $0x11  }
0xba: {  	s0 =	sor.u32 s1, s0  }
0xbb: {  	s0 =	sadd.s32 $0x8F2B, s0  }
0xbc: {  	[sflag:s0] =	ssyncadd.remote.s32 $0x1  }
0xbd: {  	_ =	sfence.sel $0xFFFF  }
0xbe: {  	[dreg:$0x0] =	wrdreg $0xFFFFFFFF;
	(pc) =	sbr.abs _section_cstart, $3  }
0xbf: {  	[dreg:$0x1] =	wrdreg $0xFFFFFFFF  }
0xc0: {  	_ =	task.clear_ibuf [dreg:s6], $0x2FFFF;
	_ =	strace $0x9FFFFFFF  }
0xc1: {  	(tm) =	ssettm $0x7FFFFFFF  }
tec
execute0_lowered:
.L_overlay_start_1:
0x0: {  	(tag) =	ssettag $0x1  }
0x1: {  	s1 =	srdreg.scid;
	s0 =	stileid.u32  }
0x2: {  	s5 =	rddreg [dreg:$0x0];
	s2 =	simm.s32 $0x0;
	s14 =	simm.s32 $0x1  }
0x3: {  	s15 =	simm.s32 $0x2;
	s16 =	simm.s32 $0x6180;
	s8 =	smul.u32 $0x188000, s0  }
0x4: {  	s17 =	simm.s32 $0x0;
	s4 =	sand.u32 $0x1, s1;
	s11 =	smul.u32 $0xC400, s0  }
0x5: {  	s25 =	sshll.u32 s0, $0x1;
	s1 =	rddreg [dreg:$0x1];
	s9 =	smul.u32 $0xC4000, s4  }
0x6: {  	[smem:$0x7FF] =	sst s2;
	s3 =	sor.u32 s4, s25;
	s13 =	smul.u32 $0x6200, s4  }
0x7: {  	s10 =	sadd.s32 $0x190800, s5;
	s26 =	ssub.s32 $0x2, s4;
	s6 =	smul.u32 $0x6200, s3  }
0x8: {  	_ =	strace $0x80000047;
	s7 =	smul.u32 $0xC4000, s3;
	s12 =	sshrl.u32 s26, $0x1  }
0x9: {  	s3 =	sadd.s32 $0x8800, s5;
	s12 =	ssub.s32 s26, s12;
	s29 =	sadd.s32 s9, s8  }
0xa: {  	s30 =	sadd.s32 s13, s11;
	s13 =	simm.s32 $0x7200;
	s6 =	sshrl.u32 s6, $0x3  }
0xb: {  	s7 =	sshrl.u32 s7, $0x3;
	s9 =	sshrl.u32 s29, $0x3;
	s11 =	sshll.u32 s30, $0x2  }
0xc: {  	s6 =	sadd.s32 s6, s5;
	s28 =	sadd.s32 s10, s7;
	s7 =	smax.u32 s12, $0x1  }
0xd: {  	s8 =	sadd.s32 s9, s10;
	s31 =	sadd.s32 s11, s10;
	s10 =	simm.s32 $0x3  }
0xe: {  	s11 =	simm.s32 $0x80;
	s12 =	simm.s32 $0x6200;
	s4 =	sadd.s32 $0x39800, s6  }
0xf: {  	s5 =	sadd.s32 $0x18400, s28;
	s6 =	sadd.s32 $0x18600, s28;
	s9 =	sadd.s32 $0x200, s31  }
.LBB2_1:
0x10: {  	[tilespmem:s2], [sflag:$0x3] =	stream.linear.gather [hbm4b:s4+s2], $0x6200, $0x38;
	[tilespmem:$0x8200] =	vst v63  }
0x11: {  	_ =	swait.ge [sflag:s10], $0x6200  }
0x12: {  	[sflag:s10] =	ssyncset.done $0x0  }
0x13: {  	[sflag:s10] =	ssyncadd.s32 $0xFFFF9E00  }
0x14: {  	[tilespmem:s12], [sflag:$0x1] =	stream.indirect.gather [hbm4b:s3+s11], $0x20, s2, s11, $0xb8;
	[tilespmem:$0x8200] =	vst v63  }
0x15: {  	s18 =	simm.s32 $0x80  }
0x16: {  	[tilespmem:s13], [sflag:$0x2] =	stream.indirect.gather [hbm4b:s3+s11], $0x20, s18, s11, $0xb8;
	[tilespmem:$0x8200] =	vst v63  }
0x17: {  	_ =	swait.ge [sflag:s14], $0x1000  }
0x18: {  	[sflag:s14] =	ssyncset.done $0x0  }
0x19: {  	s29 =	sadd.s32 $0x0, s8;
	[sflag:s14] =	ssyncadd.s32 $0xFFFFF000  }
0x1a: {  	[hbm4b:s29+s2] =	stream.linear.scatter [tilespmem:s12], [sflag:$0x3], $0x1000, $0x38;
	[tilespmem:$0x8200] =	vst v63  }
0x1b: {  	_ =	swait.ge [sflag:s10], $0x1000  }
0x1c: {  	[sflag:s10] =	ssyncset.done $0x0  }
0x1d: {  	s30 =	simm.s32 $0x100;
	[sflag:s10] =	ssyncadd.s32 $0xFFFFF000  }
0x1e: {  	[tilespmem:s12], [sflag:$0x1] =	stream.indirect.gather [hbm4b:s3+s11], $0x20, s30, s11, $0xb8;
	[tilespmem:$0x8200] =	vst v63  }
0x1f: {  	_ =	swait.ge [sflag:s15], $0x1000  }
0x20: {  	[sflag:s15] =	ssyncset.done $0x0  }
0x21: {  	s31 =	sadd.s32 $0x0, s9;
	[sflag:s15] =	ssyncadd.s32 $0xFFFFF000  }
0x22: {  	[hbm4b:s31+s2] =	stream.linear.scatter [tilespmem:s13], [sflag:$0x3], $0x1000, $0x38;
	[tilespmem:$0x8200] =	vst v63  }
0x23: {  	s20 =	simm.s32 $0x800;
	_ =	swait.ge [sflag:s10], $0x1000  }
0x24: {  	s19 =	simm.s32 $0x100;
	s18 =	simm.s32 $0x400;
	[sflag:s10] =	ssyncset.done $0x0  }
.LBB2_2:
0x25: {  	s21 =	sadd.s32 $0x80, s19  }
0x26: {  	[sflag:s10] =	ssyncadd.s32 $0xFFFFF000;
	s22 =	smov.u32 s20;
	s23 =	sadd.s32 $0x400, s20  }
0x27: {  	[tilespmem:s13], [sflag:$0x2] =	stream.indirect.gather [hbm4b:s3+s11], $0x20, s21, s11, $0xb8;
	[tilespmem:$0x8200] =	vst v63  }
0x28: {  	p0 =	sne.s32 s20, $0x18000;
	_ =	swait.ge [sflag:s14], $0x1000  }
0x29: {  	[sflag:s14] =	ssyncset.done $0x0  }
0x2a: {  	s20 =	sadd.s32 s18, s8;
	[sflag:s14] =	ssyncadd.s32 $0xFFFFF000  }
0x2b: {  	[hbm4b:s20+s2] =	stream.linear.scatter [tilespmem:s12], [sflag:$0x3], $0x1000, $0x38;
	[tilespmem:$0x8200] =	vst v63  }
0x2c: {  	_ =	swait.ge [sflag:s10], $0x1000  }
0x2d: {  	[sflag:s10] =	ssyncset.done $0x0  }
0x2e: {  	s19 =	sadd.s32 $0x100, s19;
	[sflag:s10] =	ssyncadd.s32 $0xFFFFF000  }
0x2f: {  	[tilespmem:s12], [sflag:$0x1] =	stream.indirect.gather [hbm4b:s3+s11], $0x20, s19, s11, $0xb8;
	[tilespmem:$0x8200] =	vst v63  }
0x30: {  	_ =	swait.ge [sflag:s15], $0x1000  }
.Ltmp0:
0x31: {  	[sflag:s15] =	ssyncset.done $0x0;
	(pc) =	sbr.rel @p0 .LBB2_2-.Ltmp0, $4  }
0x32: {  	s19 =	sadd.s32 s18, s9;
	s18 =	smov.u32 s22;
	[sflag:s15] =	ssyncadd.s32 $0xFFFFF000  }
0x33: {  	[hbm4b:s19+s2] =	stream.linear.scatter [tilespmem:s13], [sflag:$0x3], $0x1000, $0x38;
	[tilespmem:$0x8200] =	vst v63  }
0x34: {  	_ =	swait.ge [sflag:s10], $0x1000  }
0x35: {  	s20 =	smov.u32 s23;
	s19 =	sshra.s32 s18, $0x2;
	[sflag:s10] =	ssyncset.done $0x0  }
0x36: {  	s20 =	sadd.s32 $0x80, s19;
	[sflag:s10] =	ssyncadd.s32 $0xFFFFF000  }
0x37: {  	[tilespmem:s13], [sflag:$0x2] =	stream.indirect.gather [hbm4b:s3+s11], $0x20, s20, s11, $0xb8;
	[tilespmem:$0x8200] =	vst v63  }
0x38: {  	_ =	swait.ge [sflag:s14], $0x1000  }
0x39: {  	[sflag:s14] =	ssyncset.done $0x0  }
0x3a: {  	s29 =	sadd.s32 s18, s8;
	[sflag:s14] =	ssyncadd.s32 $0xFFFFF000  }
0x3b: {  	[hbm4b:s29+s2] =	stream.linear.scatter [tilespmem:s12], [sflag:$0x3], $0x1000, $0x38;
	[tilespmem:$0x8200] =	vst v63  }
0x3c: {  	_ =	swait.ge [sflag:s10], $0x1000  }
0x3d: {  	[sflag:s10] =	ssyncset.done $0x0  }
0x3e: {  	s30 =	sadd.s32 $0x100, s19;
	[sflag:s10] =	ssyncadd.s32 $0xFFFFF000  }
0x3f: {  	[tilespmem:s12], [sflag:$0x1] =	stream.indirect.gather [hbm4b:s3+s11], $0x20, s30, s11, $0xb8;
	[tilespmem:$0x8200] =	vst v63  }
0x40: {  	_ =	swait.ge [sflag:s15], $0x1000  }
0x41: {  	[sflag:s15] =	ssyncset.done $0x0  }
0x42: {  	s31 =	sadd.s32 s18, s9;
	[sflag:s15] =	ssyncadd.s32 $0xFFFFF000  }
0x43: {  	[hbm4b:s31+s2] =	stream.linear.scatter [tilespmem:s13], [sflag:$0x3], $0x1000, $0x38;
	[tilespmem:$0x8200] =	vst v63  }
0x44: {  	_ =	swait.ge [sflag:s10], $0x1000  }
0x45: {  	[sflag:s10] =	ssyncset.done $0x0  }
0x46: {  	[sflag:s10] =	ssyncadd.s32 $0xFFFFF000  }
0x47: {  	[tilespmem:s13], [sflag:$0x2] =	stream.indirect.gather [hbm4b:s3+s11], $0x20, s16, s11, $0xb8;
	[tilespmem:$0x8200] =	vst v63  }
0x48: {  	_ =	swait.ge [sflag:s14], $0x1000  }
0x49: {  	[sflag:s14] =	ssyncset.done $0x0  }
0x4a: {  	[sflag:s14] =	ssyncadd.s32 $0xFFFFF000  }
0x4b: {  	[hbm4b:s5+s2] =	stream.linear.scatter [tilespmem:s12], [sflag:$0x3], $0x1000, $0x38;
	[tilespmem:$0x8200] =	vst v63  }
0x4c: {  	_ =	swait.ge [sflag:s10], $0x1000  }
0x4d: {  	[sflag:s10] =	ssyncset.done $0x0  }
0x4e: {  	[sflag:s10] =	ssyncadd.s32 $0xFFFFF000  }
0x4f: {  	s17 =	sadd.s32 $0x1, s17;
	_ =	swait.ge [sflag:s15], $0x1000  }
0x50: {  	p0 =	sne.s32 s17, s7;
	[sflag:s15] =	ssyncset.done $0x0  }
.Ltmp1:
0x51: {  	[sflag:s15] =	ssyncadd.s32 $0xFFFFF000;
	(pc) =	sbr.rel @p0 .LBB2_1-.Ltmp1, $4  }
0x52: {  	[hbm4b:s6+s2] =	stream.linear.scatter [tilespmem:s13], [sflag:$0x3], $0x1000, $0x38;
	[tilespmem:$0x8200] =	vst v63  }
0x53: {  	_ =	swait.ge [sflag:s10], $0x1000  }
0x54: {  	[sflag:s10] =	ssyncset.done $0x0  }
0x55: {  	[sflag:s10] =	ssyncadd.s32 $0xFFFFF000  }
0x56: {  	_ =	sfence.sel $0x180000  }
0x57: {  	[bflag:$0x0] =	sbarrier.arrive $0xFFFF  }
0x58: {  	p0 =	sne.s32 s0, $0x0;
	_ =	strace $0x90000047  }
0x59: {  	s0 =	sadd.s32 @!p0 $0x100000, s1;
	[bflag:$0x2] =	sbarrier.arrive $0xFFFF  }
0x5a: {  	[sflag:s0] =	ssyncadd.tile.s32 @!p0 $0x1;
	_ =	shalt  }
.Lfunc_end2:
_tile_overlayer_lowered:
.L_overlay_start_2:
0x5b: {  	(tag) =	ssettag $0x2  }
0x5c: {  	s0 =	rddreg [dreg:$0x0];
	s2 =	stileid.u32  }
0x5d: {  	s1 =	rddreg [dreg:$0x1];
	p0 =	sne.s32 s2, $0x0  }
0x5e: {  	s3 =	rddreg [dreg:$0x2];
	[bflag:$0x3] =	sbarrier.arrive $0xFFFF;
	s2 =	simm.s32 @!p0 $0x1C03  }
0x5f: {  	[timem:s3], [sflag:s2] =	dma.local @!p0 [hbm:s0], s1  }
0x60: {  	s0 =	simm.s32 @!p0 $0x3  }
0x61: {  	_ =	swait.ge @!p0 [sflag:s0], s1  }
0x62: {  	s1 =	ssub.s32 @!p0 $0x0, s1;
	[sflag:s0] =	ssyncset.done @!p0 $0x0  }
0x63: {  	[sflag:s0] =	ssyncadd.s32 @!p0 s1  }
0x64: {  	[bflag:$0x3] =	sbarrier.arrive $0xFFFF  }
0x65: {  	_ =	shalt  }

// kernel: kernel.20.cloned.1.call-start
scs
__scs_entry_jumppad:
0x0: {  	(pc) =	sbr.rel $0x88, $3  }
0x1: {  	(tag) =	ssettag $0x0;
	lr =	simm.s32 $0x1  }
0x2: {  	[smem:$0x3F85] =	sst lr;
	_ =	strace $0xD0000000  }
0x3: {  	_ = 	snop  }
0x4: {  	_ = 	snop  }
0x5: {  	_ = 	snop  }
0x6: {  	_ = 	snop  }
0x7: {  	_ = 	snop  }
__scs_overlays_trampoline_lowered:
0x8: {  	[smem:$0x3F94] =	sst s0  }
0x9: {  	[smem:$0x3F95] =	sst s1  }
0xa: {  	[smem:$0x3F96] =	sst s2  }
0xb: {  	[smem:$0x3F97] =	sst s3  }
0xc: {  	[smem:$0x3F98] =	sst s4  }
0xd: {  	[smem:$0x3F99] =	sst s5  }
0xe: {  	[smem:$0x3F9A] =	sst s6  }
0xf: {  	[smem:$0x3F9B] =	sst s7  }
0x10: {  	[smem:$0x3F9C] =	sst s8  }
0x11: {  	[smem:$0x3F9D] =	sst s9;
	s0 =	simm.s32 @!p0 $0x0  }
0x12: {  	s1 =	sld [smem:$0x3F83];
	s0 =	simm.s32 @p0 $0x1  }
0x13: {  	[smem:$0x3F9E] =	sst s0;
	s0 =	simm.s32 @!p1 $0x0  }
0x14: {  	s2 =	sld [smem:$0x3F82];
	s0 =	simm.s32 @p1 $0x1  }
0x15: {  	[smem:$0x3F9F] =	sst s0;
	s0 =	simm.s32 @!p2 $0x0  }
0x16: {  	s3 =	sld [smem:$0x3FDB];
	s0 =	simm.s32 @p2 $0x1  }
0x17: {  	s4 =	simm.s32 $0x1BF5;
	[smem:$0x3FA1] =	sst s0  }
0x18: {  	s0 =	sld [smem:$0x3F84];
	_ =	swait.ge [sflag:s4], $0x0  }
0x19: {  	s7 =	sld [smem:$0x3F85]  }
0x1a: {  	s8 =	sadd.s32 $0xFFFFE003, lr  }
0x1b: {  	s9 =	sadd.s32 $0xFFFFFEF7, lr;
	s5 =	simm.s32 $0xFFFFFFFF;
	p2 =	slt.u32 s8, $0xFFFFF086  }
0x1c: {  	p1 =	slt.u32 s9, $0xF7A;
	s5 =	simm.s32 @!p2 $0x0  }
0x1d: {  	s5 =	simm.s32 @p1 $0x1;
	p0 =	seq.s32 s7, s2  }
0x1e: {  	s7 =	smul.u32 @!p0 $0xF7A, s2;
	p2 =	seq.s32 @!p0 s5, $0x0  }
0x1f: {  	s9 =	smul.u32 $0xF7A, s1;
	s8 =	simm.s32 @!p0 $0x1BF5;
	p2 =	por !p2, p0  }
0x20: {  	[sflag:s8] =	ssyncset.s32 @!p0 $0xFFFFF086;
	s6 =	sadd.s32 @!p0 s3, s7;
	s7 =	simm.s32 @!p0 $0x108  }
0x21: {  	s3 =	sadd.s32 s3, s9;
	s6 =	sadd.s32 @!p0 $0x88, s6;
	s7 =	simm.s32 @p2 $0x1082  }
0x22: {  	[simem:s7], [sflag:s8] =	dma.local @!p0 [hbm:s6], $0xF7A  }
0x23: {  	s9 =	sor.u32 $0xD0000000, s2;
	s6 =	simm.s32 $0x108;
	_ =	swait.ge @!p0 [sflag:s8], $0x0  }
0x24: {  	s3 =	sadd.s32 $0x88, s3;
	s6 =	simm.s32 @!p1 $0x1082;
	[sflag:s4] =	ssyncset.s32 $0xFFFFF086  }
0x25: {  	[simem:s6], [sflag:s4] =	dma.local [hbm:s3], $0xF7A  }
0x26: {  	[smem:$0x3F85] =	sst s1;
	(tag) =	ssettag s2;
	_ =	strace s9  }
0x27: {  	s1 =	sld [smem:$0x3F95]  }
0x28: {  	s2 =	sld [smem:$0x3F96]  }
0x29: {  	s4 =	sld [smem:$0x3F98]  }
0x2a: {  	p0 =	seq.s32 s5, $0x0;
	s5 =	sld [smem:$0x3F99]  }
0x2b: {  	s6 =	sld [smem:$0x3F9A]  }
0x2c: {  	s7 =	sld [smem:$0x3F9B]  }
0x2d: {  	s3 =	simm.s32 $0x108;
	s8 =	sld [smem:$0x3F9C]  }
0x2e: {  	s3 =	simm.s32 @!p0 $0x1082;
	s9 =	sld [smem:$0x3F9D]  }
0x2f: {  	lr =	sadd.s32 s0, s3;
	s0 =	sld [smem:$0x3F94]  }
0x30: {  	s3 =	sld [smem:$0x3F97]  }
0x31: {  	[smem:$0x3FA0] =	sst s10  }
0x32: {  	s10 =	sld [smem:$0x3F9E];
	_ =	sdelay $0x3  }
0x33: {  	p0 =	seq.s32 s10, $0x1;
	s10 =	sld [smem:$0x3FA0];
	_ =	sdelay $0x3  }
0x34: {  	[smem:$0x3FA0] =	sst s10  }
0x35: {  	s10 =	sld [smem:$0x3F9F];
	_ =	sdelay $0x3  }
0x36: {  	p1 =	seq.s32 s10, $0x1;
	s10 =	sld [smem:$0x3FA0];
	_ =	sdelay $0x3  }
0x37: {  	[smem:$0x3FA0] =	sst s10  }
0x38: {  	s10 =	sld [smem:$0x3FA1]  }
0x39: {  	_ = 	snop;
	(pc) =	sbr.ind lr, $3  }
0x3a: {  	_ = 	snop  }
0x3b: {  	_ = 	snop  }
0x3c: {  	p2 =	seq.s32 s10, $0x1;
	s10 =	sld [smem:$0x3FA0]  }
0x3d: {  	_ =	shalt  }
0x3e: {  	_ =	shalt  }
0x3f: {  	_ =	shalt  }
0x40: {  	_ =	shalt  }
0x41: {  	_ =	shalt  }
0x42: {  	_ =	shalt  }
0x43: {  	_ =	shalt  }
0x44: {  	_ =	shalt  }
0x45: {  	_ =	shalt  }
0x46: {  	_ =	shalt  }
0x47: {  	_ =	shalt  }
0x48: {  	_ =	shalt  }
0x49: {  	_ =	shalt  }
0x4a: {  	_ =	shalt  }
0x4b: {  	_ =	shalt  }
0x4c: {  	_ =	shalt  }
0x4d: {  	_ =	shalt  }
0x4e: {  	_ =	shalt  }
0x4f: {  	_ =	shalt  }
0x50: {  	_ =	shalt  }
0x51: {  	_ =	shalt  }
0x52: {  	_ =	shalt  }
0x53: {  	_ =	shalt  }
0x54: {  	_ =	shalt  }
0x55: {  	_ =	shalt  }
0x56: {  	_ =	shalt  }
0x57: {  	_ =	shalt  }
0x58: {  	_ =	shalt  }
0x59: {  	_ =	shalt  }
0x5a: {  	_ =	shalt  }
0x5b: {  	_ =	shalt  }
0x5c: {  	_ =	shalt  }
0x5d: {  	_ =	shalt  }
0x5e: {  	_ =	shalt  }
0x5f: {  	_ =	shalt  }
0x60: {  	_ =	shalt  }
0x61: {  	_ =	shalt  }
0x62: {  	_ =	shalt  }
0x63: {  	_ =	shalt  }
0x64: {  	_ =	shalt  }
0x65: {  	_ =	shalt  }
0x66: {  	_ =	shalt  }
0x67: {  	_ =	shalt  }
0x68: {  	_ =	shalt  }
0x69: {  	_ =	shalt  }
0x6a: {  	_ =	shalt  }
0x6b: {  	_ =	shalt  }
0x6c: {  	_ =	shalt  }
0x6d: {  	_ =	shalt  }
0x6e: {  	_ =	shalt  }
0x6f: {  	_ =	shalt  }
0x70: {  	_ =	shalt  }
0x71: {  	_ =	shalt  }
0x72: {  	_ =	shalt  }
0x73: {  	_ =	shalt  }
0x74: {  	_ =	shalt  }
0x75: {  	_ =	shalt  }
0x76: {  	_ =	shalt  }
0x77: {  	_ =	shalt  }
0x78: {  	_ =	shalt  }
0x79: {  	_ =	shalt  }
0x7a: {  	_ =	shalt  }
0x7b: {  	_ =	shalt  }
0x7c: {  	_ =	shalt  }
0x7d: {  	_ =	shalt  }
0x7e: {  	_ =	shalt  }
0x7f: {  	_ =	shalt  }
0x80: {  	_ =	shalt  }
0x81: {  	_ =	shalt  }
0x82: {  	_ =	shalt  }
0x83: {  	_ =	shalt  }
0x84: {  	_ =	shalt  }
0x85: {  	_ =	shalt  }
0x86: {  	_ =	shalt  }
0x87: {  	_ =	shalt  }
.Lfunc_end0:
.L_simem_size_0:
called_computation.1_lowered:
.L_overlay_start_0:
0x88: {  	s2 =	sld [smem:$0x3FD9]  }
0x89: {  	s3 =	sld [smem:$0x3FFE];
	_ =	sdelay $0x1  }
0x8a: {  	s1 =	srdreg.scid  }
0x8b: {  	s0 =	sand.u32 $0x1, s1  }
0x8c: {  	s16 =	sshll.u32 s0, $0xA;
	s2 =	sadd.s32 s3, s2  }
0x8d: {  	s2 =	sadd.s32 s2, s16  }
0x8e: {  	[smem:$0x3FAC] =	sst s2  }
0x8f: {  	_ = 	snop  }
0x90: {  	(tm) =	ssettm $0x1  }
0x91: {  	s17 =	sld [smem:$0x3FFB];
	_ =	sdelay $0x3  }
0x92: {  	_ =	strace s17  }
0x93: {  	s2 =	sld [smem:$0x3FFC];
	_ =	sdelay $0x3  }
0x94: {  	_ =	strace s2  }
0x95: {  	s2 =	sld [smem:$0x3FFD];
	_ =	sdelay $0x3  }
0x96: {  	_ =	strace s2  }
0x97: {  	_ =	strace $0x8FFFFFFF  }
0x98: {  	s18 =	sld [smem:$0x3FDB];
	_ =	sdelay $0x1  }
0x99: {  	s19 =	simm.s32 $_scs_section_size  }
0x9a: {  	s4 =	simm.s32 $_size__tile_overlayer_lowered;
	s5 =	simm.s32 $_tile_overlayer_lowered  }
0x9b: {  	s22 =	simm.s32 $0x1BFF;
	s21 =	sshll.u32 s5, $0x1;
	s2 =	sadd.s32 s19, s18  }
0x9c: {  	s6 =	simm.s32 $0x0;
	s20 =	sshll.u32 s4, $0x1;
	s4 =	sadd.s32 s21, s2  }
0x9d: {  	[timem:s6], [sflag:s22] =	dma.local [hbm:s4], s20  }
0x9e: {  	_ =	swait.ge [sflag:s22], s20  }
0x9f: {  	s3 =	ssub.s32 $0x0, s20;
	[sflag:s22] =	ssyncset.done $0x0  }
0xa0: {  	[sflag:s22] =	ssyncadd.s32 s3;
	_ =	sdelay $0x1  }
0xa1: {  	s23 =	simm.s32 $0x1B8B  }
0xa2: {  	_ =	swait.ge [sflag:s23], $0x1  }
0xa3: {  	[sflag:s23] =	ssyncset.done $0x0  }
0xa4: {  	s25 =	simm.s32 $0x1B8E;
	s24 =	sld [smem:$0x3FFE];
	[sflag:s23] =	ssyncadd.s32 $0xFFFFFFFF  }
0xa5: {  	s26 =	simm.s32 $execute0_lowered;
	[smem:$0x3FD2] =	sst s25  }
0xa6: {  	s4 =	sshll.u32 s26, $0x1;
	_ =	strace $0x80000049;
	[dreg:$0x1] =	wrdreg $0xFFFFFFFF  }
0xa7: {  	s28 =	simm.s32 $_size_execute0_lowered;
	s2 =	sadd.s32 s2, s4;
	[dreg:$0x0] =	wrdreg $0x0  }
0xa8: {  	s4 =	sshll.u32 s28, $0x1;
	[dreg:$0x2] =	wrdreg s2  }
0xa9: {  	[dreg:$0x3] =	wrdreg s4  }
0xaa: {  	[dreg:$0x4] =	wrdreg $0xC0  }
0xab: {  	_ =	task [dreg:s6], $0x5FFFF  }
0xac: {  	[dreg:$0x1] =	wrdreg $0xFFFFFFFF  }
0xad: {  	[dreg:$0x0] =	wrdreg $0x60  }
0xae: {  	[dreg:$0x2] =	wrdreg s24  }
0xaf: {  	[dreg:$0x3] =	wrdreg $0x9  }
0xb0: {  	_ =	task.clear_ibuf [dreg:s6], $0x4FFFF;
	_ =	strace $0x90000049  }
0xb1: {  	s29 =	simm.s32 $0x9;
	_ =	strace $0x8000004B  }
0xb2: {  	_ =	swait.ge [sflag:s29], $0x1  }
0xb3: {  	[sflag:s29] =	ssyncadd.s32 $0xFFFFFFFF  }
0xb4: {  	_ =	strace $0x9000004B  }
0xb5: {  	_ =	sfence  }
0xb6: {  	s30 =	sld [smem:$0x0];
	_ =	sdelay $0x2  }
0xb7: {  	s31 =	sshll.u32 s1, $0xD;
	s1 =	sshrl.u32 s1, $0x2  }
0xb8: {  	s3 =	sand.u32 $0x4000, s31;
	s1 =	sadd.s32 s1, s30  }
0xb9: {  	s0 =	sor.u32 s3, s0;
	s1 =	sshll.u32 s1, $0x11  }
0xba: {  	s0 =	sor.u32 s1, s0  }
0xbb: {  	s0 =	sadd.s32 $0x8F2B, s0  }
0xbc: {  	[sflag:s0] =	ssyncadd.remote.s32 $0x1  }
0xbd: {  	_ =	sfence.sel $0xFFFF  }
0xbe: {  	[dreg:$0x0] =	wrdreg $0xFFFFFFFF;
	(pc) =	sbr.abs _section_cstart, $3  }
0xbf: {  	[dreg:$0x1] =	wrdreg $0xFFFFFFFF  }
0xc0: {  	_ =	task.clear_ibuf [dreg:s6], $0x2FFFF;
	_ =	strace $0x9FFFFFFF  }
0xc1: {  	(tm) =	ssettm $0x7FFFFFFF  }
tec
execute0_lowered:
.L_overlay_start_1:
0x0: {  	(tag) =	ssettag $0x1  }
0x1: {  	s1 =	srdreg.scid;
	s0 =	stileid.u32  }
0x2: {  	s5 =	rddreg [dreg:$0x0];
	s2 =	simm.s32 $0x0;
	s14 =	simm.s32 $0x1  }
0x3: {  	s15 =	simm.s32 $0x2;
	s16 =	simm.s32 $0x6180;
	s8 =	smul.u32 $0x188000, s0  }
0x4: {  	s17 =	simm.s32 $0x0;
	s4 =	sand.u32 $0x1, s1;
	s11 =	smul.u32 $0xC400, s0  }
0x5: {  	s25 =	sshll.u32 s0, $0x1;
	s1 =	rddreg [dreg:$0x1];
	s9 =	smul.u32 $0xC4000, s4  }
0x6: {  	[smem:$0x7FF] =	sst s2;
	s3 =	sor.u32 s4, s25;
	s13 =	smul.u32 $0x6200, s4  }
0x7: {  	s10 =	sadd.s32 $0x254800, s5;
	s26 =	ssub.s32 $0x2, s4;
	s6 =	smul.u32 $0x6200, s3  }
0x8: {  	_ =	strace $0x8000004A;
	s7 =	smul.u32 $0xC4000, s3;
	s12 =	sshrl.u32 s26, $0x1  }
0x9: {  	s3 =	sadd.s32 $0x8800, s5;
	s12 =	ssub.s32 s26, s12;
	s29 =	sadd.s32 s9, s8  }
0xa: {  	s30 =	sadd.s32 s13, s11;
	s13 =	simm.s32 $0x7200;
	s6 =	sshrl.u32 s6, $0x3  }
0xb: {  	s7 =	sshrl.u32 s7, $0x3;
	s9 =	sshrl.u32 s29, $0x3;
	s11 =	sshll.u32 s30, $0x2  }
0xc: {  	s6 =	sadd.s32 s6, s5;
	s28 =	sadd.s32 s10, s7;
	s7 =	smax.u32 s12, $0x1  }
0xd: {  	s8 =	sadd.s32 s9, s10;
	s31 =	sadd.s32 s11, s10;
	s10 =	simm.s32 $0x3  }
0xe: {  	s11 =	simm.s32 $0x80;
	s12 =	simm.s32 $0x6200;
	s4 =	sadd.s32 $0x39800, s6  }
0xf: {  	s5 =	sadd.s32 $0x18400, s28;
	s6 =	sadd.s32 $0x18600, s28;
	s9 =	sadd.s32 $0x200, s31  }
.LBB2_1:
0x10: {  	[tilespmem:s2], [sflag:$0x3] =	stream.linear.gather [hbm4b:s4+s2], $0x6200, $0x38;
	[tilespmem:$0x8200] =	vst v63  }
0x11: {  	_ =	swait.ge [sflag:s10], $0x6200  }
0x12: {  	[sflag:s10] =	ssyncset.done $0x0  }
0x13: {  	[sflag:s10] =	ssyncadd.s32 $0xFFFF9E00  }
0x14: {  	[tilespmem:s12], [sflag:$0x1] =	stream.indirect.gather [hbm4b:s3+s11], $0x20, s2, s11, $0xb8;
	[tilespmem:$0x8200] =	vst v63  }
0x15: {  	s18 =	simm.s32 $0x80  }
0x16: {  	[tilespmem:s13], [sflag:$0x2] =	stream.indirect.gather [hbm4b:s3+s11], $0x20, s18, s11, $0xb8;
	[tilespmem:$0x8200] =	vst v63  }
0x17: {  	_ =	swait.ge [sflag:s14], $0x1000  }
0x18: {  	[sflag:s14] =	ssyncset.done $0x0  }
0x19: {  	s29 =	sadd.s32 $0x0, s8;
	[sflag:s14] =	ssyncadd.s32 $0xFFFFF000  }
0x1a: {  	[hbm4b:s29+s2] =	stream.linear.scatter [tilespmem:s12], [sflag:$0x3], $0x1000, $0x38;
	[tilespmem:$0x8200] =	vst v63  }
0x1b: {  	_ =	swait.ge [sflag:s10], $0x1000  }
0x1c: {  	[sflag:s10] =	ssyncset.done $0x0  }
0x1d: {  	s30 =	simm.s32 $0x100;
	[sflag:s10] =	ssyncadd.s32 $0xFFFFF000  }
0x1e: {  	[tilespmem:s12], [sflag:$0x1] =	stream.indirect.gather [hbm4b:s3+s11], $0x20, s30, s11, $0xb8;
	[tilespmem:$0x8200] =	vst v63  }
0x1f: {  	_ =	swait.ge [sflag:s15], $0x1000  }
0x20: {  	[sflag:s15] =	ssyncset.done $0x0  }
0x21: {  	s31 =	sadd.s32 $0x0, s9;
	[sflag:s15] =	ssyncadd.s32 $0xFFFFF000  }
0x22: {  	[hbm4b:s31+s2] =	stream.linear.scatter [tilespmem:s13], [sflag:$0x3], $0x1000, $0x38;
	[tilespmem:$0x8200] =	vst v63  }
0x23: {  	s20 =	simm.s32 $0x800;
	_ =	swait.ge [sflag:s10], $0x1000  }
0x24: {  	s19 =	simm.s32 $0x100;
	s18 =	simm.s32 $0x400;
	[sflag:s10] =	ssyncset.done $0x0  }
.LBB2_2:
0x25: {  	s21 =	sadd.s32 $0x80, s19  }
0x26: {  	[sflag:s10] =	ssyncadd.s32 $0xFFFFF000;
	s22 =	smov.u32 s20;
	s23 =	sadd.s32 $0x400, s20  }
0x27: {  	[tilespmem:s13], [sflag:$0x2] =	stream.indirect.gather [hbm4b:s3+s11], $0x20, s21, s11, $0xb8;
	[tilespmem:$0x8200] =	vst v63  }
0x28: {  	p0 =	sne.s32 s20, $0x18000;
	_ =	swait.ge [sflag:s14], $0x1000  }
0x29: {  	[sflag:s14] =	ssyncset.done $0x0  }
0x2a: {  	s20 =	sadd.s32 s18, s8;
	[sflag:s14] =	ssyncadd.s32 $0xFFFFF000  }
0x2b: {  	[hbm4b:s20+s2] =	stream.linear.scatter [tilespmem:s12], [sflag:$0x3], $0x1000, $0x38;
	[tilespmem:$0x8200] =	vst v63  }
0x2c: {  	_ =	swait.ge [sflag:s10], $0x1000  }
0x2d: {  	[sflag:s10] =	ssyncset.done $0x0  }
0x2e: {  	s19 =	sadd.s32 $0x100, s19;
	[sflag:s10] =	ssyncadd.s32 $0xFFFFF000  }
0x2f: {  	[tilespmem:s12], [sflag:$0x1] =	stream.indirect.gather [hbm4b:s3+s11], $0x20, s19, s11, $0xb8;
	[tilespmem:$0x8200] =	vst v63  }
0x30: {  	_ =	swait.ge [sflag:s15], $0x1000  }
.Ltmp0:
0x31: {  	[sflag:s15] =	ssyncset.done $0x0;
	(pc) =	sbr.rel @p0 .LBB2_2-.Ltmp0, $4  }
0x32: {  	s19 =	sadd.s32 s18, s9;
	s18 =	smov.u32 s22;
	[sflag:s15] =	ssyncadd.s32 $0xFFFFF000  }
0x33: {  	[hbm4b:s19+s2] =	stream.linear.scatter [tilespmem:s13], [sflag:$0x3], $0x1000, $0x38;
	[tilespmem:$0x8200] =	vst v63  }
0x34: {  	_ =	swait.ge [sflag:s10], $0x1000  }
0x35: {  	s20 =	smov.u32 s23;
	s19 =	sshra.s32 s18, $0x2;
	[sflag:s10] =	ssyncset.done $0x0  }
0x36: {  	s20 =	sadd.s32 $0x80, s19;
	[sflag:s10] =	ssyncadd.s32 $0xFFFFF000  }
0x37: {  	[tilespmem:s13], [sflag:$0x2] =	stream.indirect.gather [hbm4b:s3+s11], $0x20, s20, s11, $0xb8;
	[tilespmem:$0x8200] =	vst v63  }
0x38: {  	_ =	swait.ge [sflag:s14], $0x1000  }
0x39: {  	[sflag:s14] =	ssyncset.done $0x0  }
0x3a: {  	s29 =	sadd.s32 s18, s8;
	[sflag:s14] =	ssyncadd.s32 $0xFFFFF000  }
0x3b: {  	[hbm4b:s29+s2] =	stream.linear.scatter [tilespmem:s12], [sflag:$0x3], $0x1000, $0x38;
	[tilespmem:$0x8200] =	vst v63  }
0x3c: {  	_ =	swait.ge [sflag:s10], $0x1000  }
0x3d: {  	[sflag:s10] =	ssyncset.done $0x0  }
0x3e: {  	s30 =	sadd.s32 $0x100, s19;
	[sflag:s10] =	ssyncadd.s32 $0xFFFFF000  }
0x3f: {  	[tilespmem:s12], [sflag:$0x1] =	stream.indirect.gather [hbm4b:s3+s11], $0x20, s30, s11, $0xb8;
	[tilespmem:$0x8200] =	vst v63  }
0x40: {  	_ =	swait.ge [sflag:s15], $0x1000  }
0x41: {  	[sflag:s15] =	ssyncset.done $0x0  }
0x42: {  	s31 =	sadd.s32 s18, s9;
	[sflag:s15] =	ssyncadd.s32 $0xFFFFF000  }
0x43: {  	[hbm4b:s31+s2] =	stream.linear.scatter [tilespmem:s13], [sflag:$0x3], $0x1000, $0x38;
	[tilespmem:$0x8200] =	vst v63  }
0x44: {  	_ =	swait.ge [sflag:s10], $0x1000  }
0x45: {  	[sflag:s10] =	ssyncset.done $0x0  }
0x46: {  	[sflag:s10] =	ssyncadd.s32 $0xFFFFF000  }
0x47: {  	[tilespmem:s13], [sflag:$0x2] =	stream.indirect.gather [hbm4b:s3+s11], $0x20, s16, s11, $0xb8;
	[tilespmem:$0x8200] =	vst v63  }
0x48: {  	_ =	swait.ge [sflag:s14], $0x1000  }
0x49: {  	[sflag:s14] =	ssyncset.done $0x0  }
0x4a: {  	[sflag:s14] =	ssyncadd.s32 $0xFFFFF000  }
0x4b: {  	[hbm4b:s5+s2] =	stream.linear.scatter [tilespmem:s12], [sflag:$0x3], $0x1000, $0x38;
	[tilespmem:$0x8200] =	vst v63  }
0x4c: {  	_ =	swait.ge [sflag:s10], $0x1000  }
0x4d: {  	[sflag:s10] =	ssyncset.done $0x0  }
0x4e: {  	[sflag:s10] =	ssyncadd.s32 $0xFFFFF000  }
0x4f: {  	s17 =	sadd.s32 $0x1, s17;
	_ =	swait.ge [sflag:s15], $0x1000  }
0x50: {  	p0 =	sne.s32 s17, s7;
	[sflag:s15] =	ssyncset.done $0x0  }
.Ltmp1:
0x51: {  	[sflag:s15] =	ssyncadd.s32 $0xFFFFF000;
	(pc) =	sbr.rel @p0 .LBB2_1-.Ltmp1, $4  }
0x52: {  	[hbm4b:s6+s2] =	stream.linear.scatter [tilespmem:s13], [sflag:$0x3], $0x1000, $0x38;
	[tilespmem:$0x8200] =	vst v63  }
0x53: {  	_ =	swait.ge [sflag:s10], $0x1000  }
0x54: {  	[sflag:s10] =	ssyncset.done $0x0  }
0x55: {  	[sflag:s10] =	ssyncadd.s32 $0xFFFFF000  }
0x56: {  	_ =	sfence.sel $0x180000  }
0x57: {  	[bflag:$0x0] =	sbarrier.arrive $0xFFFF  }
0x58: {  	p0 =	sne.s32 s0, $0x0;
	_ =	strace $0x9000004A  }
0x59: {  	s0 =	sadd.s32 @!p0 $0x100000, s1;
	[bflag:$0x2] =	sbarrier.arrive $0xFFFF  }
0x5a: {  	[sflag:s0] =	ssyncadd.tile.s32 @!p0 $0x1;
	_ =	shalt  }
.Lfunc_end2:
_tile_overlayer_lowered:
.L_overlay_start_2:
0x5b: {  	(tag) =	ssettag $0x2  }
0x5c: {  	s0 =	rddreg [dreg:$0x0];
	s2 =	stileid.u32  }
0x5d: {  	s1 =	rddreg [dreg:$0x1];
	p0 =	sne.s32 s2, $0x0  }
0x5e: {  	s3 =	rddreg [dreg:$0x2];
	[bflag:$0x3] =	sbarrier.arrive $0xFFFF;
	s2 =	simm.s32 @!p0 $0x1C03  }
0x5f: {  	[timem:s3], [sflag:s2] =	dma.local @!p0 [hbm:s0], s1  }
0x60: {  	s0 =	simm.s32 @!p0 $0x3  }
0x61: {  	_ =	swait.ge @!p0 [sflag:s0], s1  }
0x62: {  	s1 =	ssub.s32 @!p0 $0x0, s1;
	[sflag:s0] =	ssyncset.done @!p0 $0x0  }
0x63: {  	[sflag:s0] =	ssyncadd.s32 @!p0 s1  }
0x64: {  	[bflag:$0x3] =	sbarrier.arrive $0xFFFF  }
0x65: {  	_ =	shalt  }

// kernel: kernel.23.cloned.1.call-start
scs
__scs_entry_jumppad:
0x0: {  	(pc) =	sbr.rel $0x88, $3  }
0x1: {  	(tag) =	ssettag $0x0;
	lr =	simm.s32 $0x1  }
0x2: {  	[smem:$0x3F85] =	sst lr;
	_ =	strace $0xD0000000  }
0x3: {  	_ = 	snop  }
0x4: {  	_ = 	snop  }
0x5: {  	_ = 	snop  }
0x6: {  	_ = 	snop  }
0x7: {  	_ = 	snop  }
__scs_overlays_trampoline_lowered:
0x8: {  	[smem:$0x3F94] =	sst s0  }
0x9: {  	[smem:$0x3F95] =	sst s1  }
0xa: {  	[smem:$0x3F96] =	sst s2  }
0xb: {  	[smem:$0x3F97] =	sst s3  }
0xc: {  	[smem:$0x3F98] =	sst s4  }
0xd: {  	[smem:$0x3F99] =	sst s5  }
0xe: {  	[smem:$0x3F9A] =	sst s6  }
0xf: {  	[smem:$0x3F9B] =	sst s7  }
0x10: {  	[smem:$0x3F9C] =	sst s8  }
0x11: {  	[smem:$0x3F9D] =	sst s9;
	s0 =	simm.s32 @!p0 $0x0  }
0x12: {  	s1 =	sld [smem:$0x3F83];
	s0 =	simm.s32 @p0 $0x1  }
0x13: {  	[smem:$0x3F9E] =	sst s0;
	s0 =	simm.s32 @!p1 $0x0  }
0x14: {  	s2 =	sld [smem:$0x3F82];
	s0 =	simm.s32 @p1 $0x1  }
0x15: {  	[smem:$0x3F9F] =	sst s0;
	s0 =	simm.s32 @!p2 $0x0  }
0x16: {  	s3 =	sld [smem:$0x3FDB];
	s0 =	simm.s32 @p2 $0x1  }
0x17: {  	s4 =	simm.s32 $0x1BF5;
	[smem:$0x3FA1] =	sst s0  }
0x18: {  	s0 =	sld [smem:$0x3F84];
	_ =	swait.ge [sflag:s4], $0x0  }
0x19: {  	s7 =	sld [smem:$0x3F85]  }
0x1a: {  	s8 =	sadd.s32 $0xFFFFE003, lr  }
0x1b: {  	s9 =	sadd.s32 $0xFFFFFEF7, lr;
	s5 =	simm.s32 $0xFFFFFFFF;
	p2 =	slt.u32 s8, $0xFFFFF086  }
0x1c: {  	p1 =	slt.u32 s9, $0xF7A;
	s5 =	simm.s32 @!p2 $0x0  }
0x1d: {  	s5 =	simm.s32 @p1 $0x1;
	p0 =	seq.s32 s7, s2  }
0x1e: {  	s7 =	smul.u32 @!p0 $0xF7A, s2;
	p2 =	seq.s32 @!p0 s5, $0x0  }
0x1f: {  	s9 =	smul.u32 $0xF7A, s1;
	s8 =	simm.s32 @!p0 $0x1BF5;
	p2 =	por !p2, p0  }
0x20: {  	[sflag:s8] =	ssyncset.s32 @!p0 $0xFFFFF086;
	s6 =	sadd.s32 @!p0 s3, s7;
	s7 =	simm.s32 @!p0 $0x108  }
0x21: {  	s3 =	sadd.s32 s3, s9;
	s6 =	sadd.s32 @!p0 $0x88, s6;
	s7 =	simm.s32 @p2 $0x1082  }
0x22: {  	[simem:s7], [sflag:s8] =	dma.local @!p0 [hbm:s6], $0xF7A  }
0x23: {  	s9 =	sor.u32 $0xD0000000, s2;
	s6 =	simm.s32 $0x108;
	_ =	swait.ge @!p0 [sflag:s8], $0x0  }
0x24: {  	s3 =	sadd.s32 $0x88, s3;
	s6 =	simm.s32 @!p1 $0x1082;
	[sflag:s4] =	ssyncset.s32 $0xFFFFF086  }
0x25: {  	[simem:s6], [sflag:s4] =	dma.local [hbm:s3], $0xF7A  }
0x26: {  	[smem:$0x3F85] =	sst s1;
	(tag) =	ssettag s2;
	_ =	strace s9  }
0x27: {  	s1 =	sld [smem:$0x3F95]  }
0x28: {  	s2 =	sld [smem:$0x3F96]  }
0x29: {  	s4 =	sld [smem:$0x3F98]  }
0x2a: {  	p0 =	seq.s32 s5, $0x0;
	s5 =	sld [smem:$0x3F99]  }
0x2b: {  	s6 =	sld [smem:$0x3F9A]  }
0x2c: {  	s7 =	sld [smem:$0x3F9B]  }
0x2d: {  	s3 =	simm.s32 $0x108;
	s8 =	sld [smem:$0x3F9C]  }
0x2e: {  	s3 =	simm.s32 @!p0 $0x1082;
	s9 =	sld [smem:$0x3F9D]  }
0x2f: {  	lr =	sadd.s32 s0, s3;
	s0 =	sld [smem:$0x3F94]  }
0x30: {  	s3 =	sld [smem:$0x3F97]  }
0x31: {  	[smem:$0x3FA0] =	sst s10  }
0x32: {  	s10 =	sld [smem:$0x3F9E];
	_ =	sdelay $0x3  }
0x33: {  	p0 =	seq.s32 s10, $0x1;
	s10 =	sld [smem:$0x3FA0];
	_ =	sdelay $0x3  }
0x34: {  	[smem:$0x3FA0] =	sst s10  }
0x35: {  	s10 =	sld [smem:$0x3F9F];
	_ =	sdelay $0x3  }
0x36: {  	p1 =	seq.s32 s10, $0x1;
	s10 =	sld [smem:$0x3FA0];
	_ =	sdelay $0x3  }
0x37: {  	[smem:$0x3FA0] =	sst s10  }
0x38: {  	s10 =	sld [smem:$0x3FA1]  }
0x39: {  	_ = 	snop;
	(pc) =	sbr.ind lr, $3  }
0x3a: {  	_ = 	snop  }
0x3b: {  	_ = 	snop  }
0x3c: {  	p2 =	seq.s32 s10, $0x1;
	s10 =	sld [smem:$0x3FA0]  }
0x3d: {  	_ =	shalt  }
0x3e: {  	_ =	shalt  }
0x3f: {  	_ =	shalt  }
0x40: {  	_ =	shalt  }
0x41: {  	_ =	shalt  }
0x42: {  	_ =	shalt  }
0x43: {  	_ =	shalt  }
0x44: {  	_ =	shalt  }
0x45: {  	_ =	shalt  }
0x46: {  	_ =	shalt  }
0x47: {  	_ =	shalt  }
0x48: {  	_ =	shalt  }
0x49: {  	_ =	shalt  }
0x4a: {  	_ =	shalt  }
0x4b: {  	_ =	shalt  }
0x4c: {  	_ =	shalt  }
0x4d: {  	_ =	shalt  }
0x4e: {  	_ =	shalt  }
0x4f: {  	_ =	shalt  }
0x50: {  	_ =	shalt  }
0x51: {  	_ =	shalt  }
0x52: {  	_ =	shalt  }
0x53: {  	_ =	shalt  }
0x54: {  	_ =	shalt  }
0x55: {  	_ =	shalt  }
0x56: {  	_ =	shalt  }
0x57: {  	_ =	shalt  }
0x58: {  	_ =	shalt  }
0x59: {  	_ =	shalt  }
0x5a: {  	_ =	shalt  }
0x5b: {  	_ =	shalt  }
0x5c: {  	_ =	shalt  }
0x5d: {  	_ =	shalt  }
0x5e: {  	_ =	shalt  }
0x5f: {  	_ =	shalt  }
0x60: {  	_ =	shalt  }
0x61: {  	_ =	shalt  }
0x62: {  	_ =	shalt  }
0x63: {  	_ =	shalt  }
0x64: {  	_ =	shalt  }
0x65: {  	_ =	shalt  }
0x66: {  	_ =	shalt  }
0x67: {  	_ =	shalt  }
0x68: {  	_ =	shalt  }
0x69: {  	_ =	shalt  }
0x6a: {  	_ =	shalt  }
0x6b: {  	_ =	shalt  }
0x6c: {  	_ =	shalt  }
0x6d: {  	_ =	shalt  }
0x6e: {  	_ =	shalt  }
0x6f: {  	_ =	shalt  }
0x70: {  	_ =	shalt  }
0x71: {  	_ =	shalt  }
0x72: {  	_ =	shalt  }
0x73: {  	_ =	shalt  }
0x74: {  	_ =	shalt  }
0x75: {  	_ =	shalt  }
0x76: {  	_ =	shalt  }
0x77: {  	_ =	shalt  }
0x78: {  	_ =	shalt  }
0x79: {  	_ =	shalt  }
0x7a: {  	_ =	shalt  }
0x7b: {  	_ =	shalt  }
0x7c: {  	_ =	shalt  }
0x7d: {  	_ =	shalt  }
0x7e: {  	_ =	shalt  }
0x7f: {  	_ =	shalt  }
0x80: {  	_ =	shalt  }
0x81: {  	_ =	shalt  }
0x82: {  	_ =	shalt  }
0x83: {  	_ =	shalt  }
0x84: {  	_ =	shalt  }
0x85: {  	_ =	shalt  }
0x86: {  	_ =	shalt  }
0x87: {  	_ =	shalt  }
.Lfunc_end0:
.L_simem_size_0:
called_computation.2_lowered:
.L_overlay_start_0:
0x88: {  	s2 =	sld [smem:$0x3FD9]  }
0x89: {  	s3 =	sld [smem:$0x3FFE];
	_ =	sdelay $0x1  }
0x8a: {  	s1 =	srdreg.scid  }
0x8b: {  	s0 =	sand.u32 $0x1, s1  }
0x8c: {  	s16 =	sshll.u32 s0, $0xA;
	s2 =	sadd.s32 s3, s2  }
0x8d: {  	s2 =	sadd.s32 s2, s16  }
0x8e: {  	[smem:$0x3FAC] =	sst s2  }
0x8f: {  	_ = 	snop  }
0x90: {  	(tm) =	ssettm $0x1  }
0x91: {  	s17 =	sld [smem:$0x3FFB];
	_ =	sdelay $0x3  }
0x92: {  	_ =	strace s17  }
0x93: {  	s2 =	sld [smem:$0x3FFC];
	_ =	sdelay $0x3  }
0x94: {  	_ =	strace s2  }
0x95: {  	s2 =	sld [smem:$0x3FFD];
	_ =	sdelay $0x3  }
0x96: {  	_ =	strace s2  }
0x97: {  	_ =	strace $0x8FFFFFFF  }
0x98: {  	s18 =	sld [smem:$0x3FDB];
	_ =	sdelay $0x1  }
0x99: {  	s19 =	simm.s32 $_scs_section_size  }
0x9a: {  	s4 =	simm.s32 $_size__tile_overlayer_lowered;
	s5 =	simm.s32 $_tile_overlayer_lowered  }
0x9b: {  	s22 =	simm.s32 $0x1BFF;
	s21 =	sshll.u32 s5, $0x1;
	s2 =	sadd.s32 s19, s18  }
0x9c: {  	s6 =	simm.s32 $0x0;
	s20 =	sshll.u32 s4, $0x1;
	s4 =	sadd.s32 s21, s2  }
0x9d: {  	[timem:s6], [sflag:s22] =	dma.local [hbm:s4], s20  }
0x9e: {  	_ =	swait.ge [sflag:s22], s20  }
0x9f: {  	s3 =	ssub.s32 $0x0, s20;
	[sflag:s22] =	ssyncset.done $0x0  }
0xa0: {  	[sflag:s22] =	ssyncadd.s32 s3;
	_ =	sdelay $0x1  }
0xa1: {  	s23 =	simm.s32 $0x1B8B  }
0xa2: {  	_ =	swait.ge [sflag:s23], $0x1  }
0xa3: {  	[sflag:s23] =	ssyncset.done $0x0  }
0xa4: {  	s25 =	simm.s32 $0x1B8E;
	s24 =	sld [smem:$0x3FFE];
	[sflag:s23] =	ssyncadd.s32 $0xFFFFFFFF  }
0xa5: {  	s26 =	simm.s32 $execute0_lowered;
	[smem:$0x3FD2] =	sst s25  }
0xa6: {  	s4 =	sshll.u32 s26, $0x1;
	_ =	strace $0x8000004C;
	[dreg:$0x1] =	wrdreg $0xFFFFFFFF  }
0xa7: {  	s28 =	simm.s32 $_size_execute0_lowered;
	s2 =	sadd.s32 s2, s4;
	[dreg:$0x0] =	wrdreg $0x0  }
0xa8: {  	s4 =	sshll.u32 s28, $0x1;
	[dreg:$0x2] =	wrdreg s2  }
0xa9: {  	[dreg:$0x3] =	wrdreg s4  }
0xaa: {  	[dreg:$0x4] =	wrdreg $0xC0  }
0xab: {  	_ =	task [dreg:s6], $0x5FFFF  }
0xac: {  	[dreg:$0x1] =	wrdreg $0xFFFFFFFF  }
0xad: {  	[dreg:$0x0] =	wrdreg $0x60  }
0xae: {  	[dreg:$0x2] =	wrdreg s24  }
0xaf: {  	[dreg:$0x3] =	wrdreg $0x9  }
0xb0: {  	_ =	task.clear_ibuf [dreg:s6], $0x4FFFF;
	_ =	strace $0x9000004C  }
0xb1: {  	s29 =	simm.s32 $0x9;
	_ =	strace $0x8000004E  }
0xb2: {  	_ =	swait.ge [sflag:s29], $0x1  }
0xb3: {  	[sflag:s29] =	ssyncadd.s32 $0xFFFFFFFF  }
0xb4: {  	_ =	strace $0x9000004E  }
0xb5: {  	_ =	sfence  }
0xb6: {  	s30 =	sld [smem:$0x0];
	_ =	sdelay $0x2  }
0xb7: {  	s31 =	sshll.u32 s1, $0xD;
	s1 =	sshrl.u32 s1, $0x2  }
0xb8: {  	s3 =	sand.u32 $0x4000, s31;
	s1 =	sadd.s32 s1, s30  }
0xb9: {  	s0 =	sor.u32 s3, s0;
	s1 =	sshll.u32 s1, $0x11  }
0xba: {  	s0 =	sor.u32 s1, s0  }
0xbb: {  	s0 =	sadd.s32 $0x8F2B, s0  }
0xbc: {  	[sflag:s0] =	ssyncadd.remote.s32 $0x1  }
0xbd: {  	_ =	sfence.sel $0xFFFF  }
0xbe: {  	[dreg:$0x0] =	wrdreg $0xFFFFFFFF;
	(pc) =	sbr.abs _section_cstart, $3  }
0xbf: {  	[dreg:$0x1] =	wrdreg $0xFFFFFFFF  }
0xc0: {  	_ =	task.clear_ibuf [dreg:s6], $0x2FFFF;
	_ =	strace $0x9FFFFFFF  }
0xc1: {  	(tm) =	ssettm $0x7FFFFFFF  }
tec
execute0_lowered:
.L_overlay_start_1:
0x0: {  	(tag) =	ssettag $0x1  }
0x1: {  	s1 =	srdreg.scid;
	s0 =	stileid.u32  }
0x2: {  	s5 =	rddreg [dreg:$0x0];
	s2 =	simm.s32 $0x0;
	s14 =	simm.s32 $0x1  }
0x3: {  	s15 =	simm.s32 $0x2;
	s16 =	simm.s32 $0x6180;
	s8 =	smul.u32 $0x188000, s0  }
0x4: {  	s17 =	simm.s32 $0x0;
	s4 =	sand.u32 $0x1, s1;
	s11 =	smul.u32 $0xC400, s0  }
0x5: {  	s25 =	sshll.u32 s0, $0x1;
	s1 =	rddreg [dreg:$0x1];
	s9 =	smul.u32 $0xC4000, s4  }
0x6: {  	[smem:$0x7FF] =	sst s2;
	s3 =	sor.u32 s4, s25;
	s13 =	smul.u32 $0x6200, s4  }
0x7: {  	s10 =	sadd.s32 $0x318800, s5;
	s26 =	ssub.s32 $0x2, s4;
	s6 =	smul.u32 $0x6200, s3  }
0x8: {  	_ =	strace $0x8000004D;
	s7 =	smul.u32 $0xC4000, s3;
	s12 =	sshrl.u32 s26, $0x1  }
0x9: {  	s3 =	sadd.s32 $0x8800, s5;
	s12 =	ssub.s32 s26, s12;
	s29 =	sadd.s32 s9, s8  }
0xa: {  	s30 =	sadd.s32 s13, s11;
	s13 =	simm.s32 $0x7200;
	s6 =	sshrl.u32 s6, $0x3  }
0xb: {  	s7 =	sshrl.u32 s7, $0x3;
	s9 =	sshrl.u32 s29, $0x3;
	s11 =	sshll.u32 s30, $0x2  }
0xc: {  	s6 =	sadd.s32 s6, s5;
	s28 =	sadd.s32 s10, s7;
	s7 =	smax.u32 s12, $0x1  }
0xd: {  	s8 =	sadd.s32 s9, s10;
	s31 =	sadd.s32 s11, s10;
	s10 =	simm.s32 $0x3  }
0xe: {  	s11 =	simm.s32 $0x80;
	s12 =	simm.s32 $0x6200;
	s4 =	sadd.s32 $0x39800, s6  }
0xf: {  	s5 =	sadd.s32 $0x18400, s28;
	s6 =	sadd.s32 $0x18600, s28;
	s9 =	sadd.s32 $0x200, s31  }
.LBB2_1:
0x10: {  	[tilespmem:s2], [sflag:$0x3] =	stream.linear.gather [hbm4b:s4+s2], $0x6200, $0x38;
	[tilespmem:$0x8200] =	vst v63  }
0x11: {  	_ =	swait.ge [sflag:s10], $0x6200  }
0x12: {  	[sflag:s10] =	ssyncset.done $0x0  }
0x13: {  	[sflag:s10] =	ssyncadd.s32 $0xFFFF9E00  }
0x14: {  	[tilespmem:s12], [sflag:$0x1] =	stream.indirect.gather [hbm4b:s3+s11], $0x20, s2, s11, $0xb8;
	[tilespmem:$0x8200] =	vst v63  }
0x15: {  	s18 =	simm.s32 $0x80  }
0x16: {  	[tilespmem:s13], [sflag:$0x2] =	stream.indirect.gather [hbm4b:s3+s11], $0x20, s18, s11, $0xb8;
	[tilespmem:$0x8200] =	vst v63  }
0x17: {  	_ =	swait.ge [sflag:s14], $0x1000  }
0x18: {  	[sflag:s14] =	ssyncset.done $0x0  }
0x19: {  	s29 =	sadd.s32 $0x0, s8;
	[sflag:s14] =	ssyncadd.s32 $0xFFFFF000  }
0x1a: {  	[hbm4b:s29+s2] =	stream.linear.scatter [tilespmem:s12], [sflag:$0x3], $0x1000, $0x38;
	[tilespmem:$0x8200] =	vst v63  }
0x1b: {  	_ =	swait.ge [sflag:s10], $0x1000  }
0x1c: {  	[sflag:s10] =	ssyncset.done $0x0  }
0x1d: {  	s30 =	simm.s32 $0x100;
	[sflag:s10] =	ssyncadd.s32 $0xFFFFF000  }
0x1e: {  	[tilespmem:s12], [sflag:$0x1] =	stream.indirect.gather [hbm4b:s3+s11], $0x20, s30, s11, $0xb8;
	[tilespmem:$0x8200] =	vst v63  }
0x1f: {  	_ =	swait.ge [sflag:s15], $0x1000  }
0x20: {  	[sflag:s15] =	ssyncset.done $0x0  }
0x21: {  	s31 =	sadd.s32 $0x0, s9;
	[sflag:s15] =	ssyncadd.s32 $0xFFFFF000  }
0x22: {  	[hbm4b:s31+s2] =	stream.linear.scatter [tilespmem:s13], [sflag:$0x3], $0x1000, $0x38;
	[tilespmem:$0x8200] =	vst v63  }
0x23: {  	s20 =	simm.s32 $0x800;
	_ =	swait.ge [sflag:s10], $0x1000  }
0x24: {  	s19 =	simm.s32 $0x100;
	s18 =	simm.s32 $0x400;
	[sflag:s10] =	ssyncset.done $0x0  }
.LBB2_2:
0x25: {  	s21 =	sadd.s32 $0x80, s19  }
0x26: {  	[sflag:s10] =	ssyncadd.s32 $0xFFFFF000;
	s22 =	smov.u32 s20;
	s23 =	sadd.s32 $0x400, s20  }
0x27: {  	[tilespmem:s13], [sflag:$0x2] =	stream.indirect.gather [hbm4b:s3+s11], $0x20, s21, s11, $0xb8;
	[tilespmem:$0x8200] =	vst v63  }
0x28: {  	p0 =	sne.s32 s20, $0x18000;
	_ =	swait.ge [sflag:s14], $0x1000  }
0x29: {  	[sflag:s14] =	ssyncset.done $0x0  }
0x2a: {  	s20 =	sadd.s32 s18, s8;
	[sflag:s14] =	ssyncadd.s32 $0xFFFFF000  }
0x2b: {  	[hbm4b:s20+s2] =	stream.linear.scatter [tilespmem:s12], [sflag:$0x3], $0x1000, $0x38;
	[tilespmem:$0x8200] =	vst v63  }
0x2c: {  	_ =	swait.ge [sflag:s10], $0x1000  }
0x2d: {  	[sflag:s10] =	ssyncset.done $0x0  }
0x2e: {  	s19 =	sadd.s32 $0x100, s19;
	[sflag:s10] =	ssyncadd.s32 $0xFFFFF000  }
0x2f: {  	[tilespmem:s12], [sflag:$0x1] =	stream.indirect.gather [hbm4b:s3+s11], $0x20, s19, s11, $0xb8;
	[tilespmem:$0x8200] =	vst v63  }
0x30: {  	_ =	swait.ge [sflag:s15], $0x1000  }
.Ltmp0:
0x31: {  	[sflag:s15] =	ssyncset.done $0x0;
	(pc) =	sbr.rel @p0 .LBB2_2-.Ltmp0, $4  }
0x32: {  	s19 =	sadd.s32 s18, s9;
	s18 =	smov.u32 s22;
	[sflag:s15] =	ssyncadd.s32 $0xFFFFF000  }
0x33: {  	[hbm4b:s19+s2] =	stream.linear.scatter [tilespmem:s13], [sflag:$0x3], $0x1000, $0x38;
	[tilespmem:$0x8200] =	vst v63  }
0x34: {  	_ =	swait.ge [sflag:s10], $0x1000  }
0x35: {  	s20 =	smov.u32 s23;
	s19 =	sshra.s32 s18, $0x2;
	[sflag:s10] =	ssyncset.done $0x0  }
0x36: {  	s20 =	sadd.s32 $0x80, s19;
	[sflag:s10] =	ssyncadd.s32 $0xFFFFF000  }
0x37: {  	[tilespmem:s13], [sflag:$0x2] =	stream.indirect.gather [hbm4b:s3+s11], $0x20, s20, s11, $0xb8;
	[tilespmem:$0x8200] =	vst v63  }
0x38: {  	_ =	swait.ge [sflag:s14], $0x1000  }
0x39: {  	[sflag:s14] =	ssyncset.done $0x0  }
0x3a: {  	s29 =	sadd.s32 s18, s8;
	[sflag:s14] =	ssyncadd.s32 $0xFFFFF000  }
0x3b: {  	[hbm4b:s29+s2] =	stream.linear.scatter [tilespmem:s12], [sflag:$0x3], $0x1000, $0x38;
	[tilespmem:$0x8200] =	vst v63  }
0x3c: {  	_ =	swait.ge [sflag:s10], $0x1000  }
0x3d: {  	[sflag:s10] =	ssyncset.done $0x0  }
0x3e: {  	s30 =	sadd.s32 $0x100, s19;
	[sflag:s10] =	ssyncadd.s32 $0xFFFFF000  }
0x3f: {  	[tilespmem:s12], [sflag:$0x1] =	stream.indirect.gather [hbm4b:s3+s11], $0x20, s30, s11, $0xb8;
	[tilespmem:$0x8200] =	vst v63  }
0x40: {  	_ =	swait.ge [sflag:s15], $0x1000  }
0x41: {  	[sflag:s15] =	ssyncset.done $0x0  }
0x42: {  	s31 =	sadd.s32 s18, s9;
	[sflag:s15] =	ssyncadd.s32 $0xFFFFF000  }
0x43: {  	[hbm4b:s31+s2] =	stream.linear.scatter [tilespmem:s13], [sflag:$0x3], $0x1000, $0x38;
	[tilespmem:$0x8200] =	vst v63  }
0x44: {  	_ =	swait.ge [sflag:s10], $0x1000  }
0x45: {  	[sflag:s10] =	ssyncset.done $0x0  }
0x46: {  	[sflag:s10] =	ssyncadd.s32 $0xFFFFF000  }
0x47: {  	[tilespmem:s13], [sflag:$0x2] =	stream.indirect.gather [hbm4b:s3+s11], $0x20, s16, s11, $0xb8;
	[tilespmem:$0x8200] =	vst v63  }
0x48: {  	_ =	swait.ge [sflag:s14], $0x1000  }
0x49: {  	[sflag:s14] =	ssyncset.done $0x0  }
0x4a: {  	[sflag:s14] =	ssyncadd.s32 $0xFFFFF000  }
0x4b: {  	[hbm4b:s5+s2] =	stream.linear.scatter [tilespmem:s12], [sflag:$0x3], $0x1000, $0x38;
	[tilespmem:$0x8200] =	vst v63  }
0x4c: {  	_ =	swait.ge [sflag:s10], $0x1000  }
0x4d: {  	[sflag:s10] =	ssyncset.done $0x0  }
0x4e: {  	[sflag:s10] =	ssyncadd.s32 $0xFFFFF000  }
0x4f: {  	s17 =	sadd.s32 $0x1, s17;
	_ =	swait.ge [sflag:s15], $0x1000  }
0x50: {  	p0 =	sne.s32 s17, s7;
	[sflag:s15] =	ssyncset.done $0x0  }
.Ltmp1:
0x51: {  	[sflag:s15] =	ssyncadd.s32 $0xFFFFF000;
	(pc) =	sbr.rel @p0 .LBB2_1-.Ltmp1, $4  }
0x52: {  	[hbm4b:s6+s2] =	stream.linear.scatter [tilespmem:s13], [sflag:$0x3], $0x1000, $0x38;
	[tilespmem:$0x8200] =	vst v63  }
0x53: {  	_ =	swait.ge [sflag:s10], $0x1000  }
0x54: {  	[sflag:s10] =	ssyncset.done $0x0  }
0x55: {  	[sflag:s10] =	ssyncadd.s32 $0xFFFFF000  }
0x56: {  	_ =	sfence.sel $0x180000  }
0x57: {  	[bflag:$0x0] =	sbarrier.arrive $0xFFFF  }
0x58: {  	p0 =	sne.s32 s0, $0x0;
	_ =	strace $0x9000004D  }
0x59: {  	s0 =	sadd.s32 @!p0 $0x100000, s1;
	[bflag:$0x2] =	sbarrier.arrive $0xFFFF  }
0x5a: {  	[sflag:s0] =	ssyncadd.tile.s32 @!p0 $0x1;
	_ =	shalt  }
.Lfunc_end2:
_tile_overlayer_lowered:
.L_overlay_start_2:
0x5b: {  	(tag) =	ssettag $0x2  }
0x5c: {  	s0 =	rddreg [dreg:$0x0];
	s2 =	stileid.u32  }
0x5d: {  	s1 =	rddreg [dreg:$0x1];
	p0 =	sne.s32 s2, $0x0  }
0x5e: {  	s3 =	rddreg [dreg:$0x2];
	[bflag:$0x3] =	sbarrier.arrive $0xFFFF;
	s2 =	simm.s32 @!p0 $0x1C03  }
0x5f: {  	[timem:s3], [sflag:s2] =	dma.local @!p0 [hbm:s0], s1  }
0x60: {  	s0 =	simm.s32 @!p0 $0x3  }
0x61: {  	_ =	swait.ge @!p0 [sflag:s0], s1  }
0x62: {  	s1 =	ssub.s32 @!p0 $0x0, s1;
	[sflag:s0] =	ssyncset.done @!p0 $0x0  }
0x63: {  	[sflag:s0] =	ssyncadd.s32 @!p0 s1  }
0x64: {  	[bflag:$0x3] =	sbarrier.arrive $0xFFFF  }
0x65: {  	_ =	shalt  }

</sc_bundles>
